<compile_context>
chip_gen: v7x
topology: tpu7x:2x2x1
jax: 0.10.2.dev20260603
libtpu: 0.0.44.dev20260713+nightly
codegen_flags: <defaults>
</compile_context>

<pallas_src>
import functools

import jax
import jax.numpy as jnp
import numpy as np
from jax import lax
from jax.experimental import pallas as pl
from jax.experimental.pallas import tpu as pltpu
from jax.experimental.pallas import tpu_sc as plsc

N = 10000
E = 320000
NC = 2
NS = 16
L = 16
NW = NC * NS
EPW = E // NW
UNROLL = 5


def _mesh():
    return plsc.VectorSubcoreMesh(
        core_axis_name="c", subcore_axis_name="s", num_cores=NC, num_subcores=NS
    )


def _zero_fill(ref, nwords):
    zeros = jnp.zeros((L,), jnp.float32)

    def zbody(i):
        ref[pl.ds(i * L, L)] = zeros

    plsc.parallel_loop(0, nwords // L, 1, unroll=5)(zbody)



@functools.partial(
    pl.kernel,
    out_type=jax.ShapeDtypeStruct((NW, N), jnp.float32),
    mesh=_mesh(),
    scratch_types=[
        pltpu.VMEM((EPW,), jnp.int32),
        pltpu.VMEM((N,), jnp.float32),
        pltpu.SemaphoreType.DMA,
    ],
    compiler_params=pltpu.CompilerParams(needs_layout_passes=False),
)
def _deg_kernel(ei_hbm, out_hbm, dst_v, acc_v, sem1):
    c = lax.axis_index("c")
    s = lax.axis_index("s")
    wid = s * NC + c
    cp1 = pltpu.async_copy(ei_hbm.at[pl.ds(E + wid * EPW, EPW)], dst_v, sem1)
    _zero_fill(acc_v, N)
    cp1.wait()
    ones = jnp.ones((L,), jnp.float32)

    def ebody(i):
        d = dst_v[pl.ds(i * L, L)]
        plsc.addupdate_scatter(acc_v, [d], ones)

    plsc.parallel_loop(0, EPW // L, 1, unroll=UNROLL)(ebody)
    pltpu.sync_copy(acc_v, out_hbm.at[wid])


def _make_edge_pass(F):

    @functools.partial(
        pl.kernel,
        out_type=jax.ShapeDtypeStruct((NW, F * N), jnp.float32),
        mesh=_mesh(),
        scratch_types=[
            pltpu.VMEM((EPW,), jnp.int32),
            pltpu.VMEM((EPW,), jnp.int32),
            pltpu.VMEM((F * N,), jnp.float32),
            pltpu.VMEM((F * N,), jnp.float32),
            pltpu.VMEM_SHARED((F * N,), jnp.float32),
            pltpu.SemaphoreType.DMA,
            pltpu.SemaphoreType.DMA,
        ],
        compiler_params=pltpu.CompilerParams(needs_layout_passes=False),
    )
    def edge_kernel(ei_hbm, g_hbm, out_hbm,
                    src_v, dst_v, g_v, acc_v, g_sh, sem1, sem2):
        c = lax.axis_index("c")
        s = lax.axis_index("s")
        wid = s * NC + c
        cp1 = pltpu.async_copy(ei_hbm.at[pl.ds(wid * EPW, EPW)], src_v, sem1)
        cp2 = pltpu.async_copy(ei_hbm.at[pl.ds(E + wid * EPW, EPW)], dst_v, sem2)

        @pl.when(s == 0)
        def _():
            pltpu.sync_copy(g_hbm, g_sh)

        _zero_fill(acc_v, F * N)
        plsc.subcore_barrier()
        pltpu.sync_copy(g_sh, g_v)
        cp1.wait()
        cp2.wait()

        def ebody(i):
            off = i * L
            sv = src_v[pl.ds(off, L)]
            dv = dst_v[pl.ds(off, L)]
            for f in range(F):
                vals = plsc.load_gather(g_v, [sv + f * N])
                plsc.addupdate_scatter(acc_v, [dv + f * N], vals)

        plsc.parallel_loop(0, EPW // L, 1, unroll=UNROLL)(ebody)
        pltpu.sync_copy(acc_v, out_hbm.at[wid])

    return edge_kernel


_edge4 = _make_edge_pass(4)
_edge2 = _make_edge_pass(2)



def _tch_body(x_ref, w1_ref, b1_ref, h_ref):
    h_ref[...] = lax.dot_general(
        w1_ref[...], x_ref[...], (((0,), (1,)), ((), ())),
        preferred_element_type=jnp.float32,
    ) + b1_ref[...][:, None]


_tch = pl.pallas_call(
    _tch_body,
    out_shape=jax.ShapeDtypeStruct((4, N), jnp.float32),
)


def _tcs_body(degp_ref, h_ref, g1_ref, p_ref, pm_ref):
    deg = jnp.sum(degp_ref[...], axis=0) + 1.0
    p = lax.rsqrt(deg)
    g1_ref[...] = h_ref[...] * p[None, :]
    p_ref[...] = p
    pm_ref[...] = p / deg


_tcs = pl.pallas_call(
    _tcs_body,
    out_shape=[
        jax.ShapeDtypeStruct((4, N), jnp.float32),
        jax.ShapeDtypeStruct((N,), jnp.float32),
        jax.ShapeDtypeStruct((N,), jnp.float32),
    ],
)


def _parts_acc(parts_ref, fin):
    acc1d = jnp.sum(parts_ref[...], axis=0)
    return jnp.stack(
        [acc1d[f * N:(f + 1) * N] for f in range(fin)], axis=0
    )


def _tcmid_body(fin, parts_ref, g_ref, pm_ref, p_ref, w_ref, b_ref, gnext_ref):
    acc = _parts_acc(parts_ref, fin) + g_ref[...]
    t = jnp.tanh(acc * pm_ref[...][None, :])
    h = lax.dot_general(
        w_ref[...], t, (((0,), (0,)), ((), ())),
        preferred_element_type=jnp.float32,
    ) + b_ref[...][:, None]
    gnext_ref[...] = h * p_ref[...][None, :]


def _make_tcmid(fin, fout):
    return pl.pallas_call(
        functools.partial(_tcmid_body, fin),
        out_shape=jax.ShapeDtypeStruct((fout, N), jnp.float32),
    )


_tcmid4 = _make_tcmid(4, 4)
_tcmid2 = _make_tcmid(4, 2)


def _tc3_body(parts_ref, g_ref, p_ref, wc_ref, bc_ref, out_ref):
    acc = _parts_acc(parts_ref, 2) + g_ref[...]
    t = jnp.tanh(acc * p_ref[...][None, :])
    out_ref[...] = lax.dot_general(
        t, wc_ref[...], (((0,), (0,)), ((), ())),
        preferred_element_type=jnp.float32,
    ) + bc_ref[...][None, :]


_tc3 = pl.pallas_call(
    _tc3_body,
    out_shape=jax.ShapeDtypeStruct((N, 10), jnp.float32),
)



def kernel(x, edge_index, W1, b1, W2, b2, W3, b3, Wc, bc):
    ei = edge_index.astype(jnp.int32).reshape(2 * E)

    h1 = _tch(x, W1, b1)
    degp = _deg_kernel(ei)
    g1, p, pm = _tcs(degp, h1)

    parts1 = _edge4(ei, g1.reshape(4 * N))
    g2 = _tcmid4(parts1, g1, pm, p, W2, b2)

    parts2 = _edge4(ei, g2.reshape(4 * N))
    g3 = _tcmid2(parts2, g2, pm, p, W3, b3)

    parts3 = _edge2(ei, g3.reshape(2 * N))
    out = _tc3(parts3, g3, p, Wc, bc)
    return out

# --- scband reference (transcript-rebuilt; emitter-appended) ---
"""Pipeline reference for scband-gcn3-63780264346291 (READ-ONLY COPY).

The authoritative reference and input builder live on the scoring server;
editing this copy changes nothing except your own understanding.
"""

import jax, jax.numpy as jnp
import numpy as np

N_NODES = 10000
N_EDGES = 320000
D_FEAT = 128
HIDDEN = 4
N_CLASSES = 10


def gcn_conv(x, edge_index, W, b, aggr):
    N = x.shape[0]
    loop = jnp.arange(N, dtype=edge_index.dtype)
    src = jnp.concatenate([edge_index[0], loop])
    dst = jnp.concatenate([edge_index[1], loop])
    h = x @ W + b
    deg = jnp.zeros((N,), dtype=x.dtype).at[dst].add(1.0)
    deg_inv_sqrt = deg ** -0.5
    norm = deg_inv_sqrt[src] * deg_inv_sqrt[dst]
    msg = norm[:, None] * jnp.take(h, src, axis=0)
    out = jax.ops.segment_sum(msg, dst, num_segments=N)
    if aggr == 'mean':
        cnt = jax.ops.segment_sum(jnp.ones_like(norm), dst, num_segments=N)
        out = out / cnt[:, None]
    return out


def setup_inputs(seed: int = 0) -> dict:
    key = jax.random.key(seed)
    ks = jax.random.split(key, 10)
    x = jax.random.normal(ks[0], (N_NODES, D_FEAT), dtype=jnp.float32)
    edge_index = jax.random.randint(ks[1], (2, N_EDGES), 0, N_NODES, dtype=jnp.int64)
    W1 = jax.random.normal(ks[2], (D_FEAT, HIDDEN), dtype=jnp.float32) * (1.0 / np.sqrt(D_FEAT))
    b1 = jnp.zeros((HIDDEN,), dtype=jnp.float32)
    W2 = jax.random.normal(ks[3], (HIDDEN, HIDDEN), dtype=jnp.float32) * (1.0 / np.sqrt(HIDDEN))
    b2 = jnp.zeros((HIDDEN,), dtype=jnp.float32)
    W3 = jax.random.normal(ks[4], (HIDDEN, 2), dtype=jnp.float32) * (1.0 / np.sqrt(HIDDEN))
    b3 = jnp.zeros((2,), dtype=jnp.float32)
    Wc = jax.random.normal(ks[5], (2, N_CLASSES), dtype=jnp.float32) * (1.0 / np.sqrt(2.0))
    bc = jnp.zeros((N_CLASSES,), dtype=jnp.float32)
    return {"x": x, "edge_index": edge_index, "W1": W1, "b1": b1, "W2": W2, "b2": b2, "W3": W3, "b3": b3, "Wc": Wc, "bc": bc}


def reference(x, edge_index, W1, b1, W2, b2, W3, b3, Wc, bc):
    h = gcn_conv(x, edge_index, W1, b1, aggr='mean')
    h = jnp.tanh(h)
    h = gcn_conv(h, edge_index, W2, b2, aggr='mean')
    h = jnp.tanh(h)
    h = gcn_conv(h, edge_index, W3, b3, aggr='add')
    h = jnp.tanh(h)
    out = h @ Wc + bc
    return out

if __name__ == "__main__":
    import jax
    _d = setup_inputs()
    print(jax.jit(kernel)(*tuple(_d.values())))

</pallas_src>

<mosaic_0001>
#map = affine_map<(d0, d1) -> (0)>
#map1 = affine_map<(d0, d1) -> (0, 0)>
module attributes {stable_mosaic.version = 14 : i64} {
  func.func @_deg_kernel(%arg0: i32, %arg1: i32, %arg2: memref<640000xi32, #tpu.memory_space<hbm>>, %arg3: memref<32x10000xf32, #tpu.memory_space<hbm>>, %arg4: memref<10000xi32, #tpu.memory_space<vmem>>, %arg5: memref<10000xf32, #tpu.memory_space<vmem>>, %arg6: memref<!tpu.dma_semaphore, #tpu.memory_space<semaphore_mem>>) attributes {dimension_semantics = [#tpu.dimension_semantics<core_parallel>, #tpu.dimension_semantics<subcore_parallel>], iteration_bounds = array<i64: 2, 16>, scalar_prefetch = 0 : i64, scratch_operands = 3 : i64, tpu.core_type = #tpu.core_type<sc_vector_subcore>, window_params = [{transform_indices = #map}, {transform_indices = #map1}]} {
    %mul3A = arith.constant 2 : i32
    %mul3A_0 = arith.muli %arg1, %mul3A : i32
    %add3A = arith.addi %mul3A_0, %arg0 : i32
    %mul3A_1 = arith.constant 10000 : i32
    %mul3A_2 = arith.muli %add3A, %mul3A_1 : i32
    %add3A_3 = arith.constant 320000 : i32
    %add3A_4 = arith.addi %add3A_3, %mul3A_2 : i32
    %dma_start3A = tpu.memref_slice %arg2[%add3A_4] : memref<640000xi32, #tpu.memory_space<hbm>> -> memref<10000xi32, #tpu.memory_space<hbm>>
    %dma_start3A_5 = tpu.memref_slice %arg2[%add3A_4] : memref<640000xi32, #tpu.memory_space<hbm>> -> memref<10000xi32, #tpu.memory_space<hbm>>
    tpu.enqueue_dma source(%dma_start3A_5 : memref<10000xi32, #tpu.memory_space<hbm>>) target(%arg4 : memref<10000xi32, #tpu.memory_space<vmem>>) target_semaphore(%arg6 : memref<!tpu.dma_semaphore, #tpu.memory_space<semaphore_mem>>)
    %broadcast_in_dim3A = arith.constant 0.000000e+00 : f32
    %broadcast_in_dim3A_6 = vector.broadcast %broadcast_in_dim3A : f32 to vector<16xf32>
    %parallel_loop3A = arith.constant 0 : i32
    %parallel_loop3A_7 = arith.constant 625 : i32
    %parallel_loop3A_8 = arith.constant 1 : i32
    scf.for %parallel_loop3A_15 = %parallel_loop3A to %parallel_loop3A_7 step %parallel_loop3A_8  : i32 {
      %parallel_loop3A_16 = arith.constant 16 : i32
      %parallel_loop3A_17 = arith.muli %parallel_loop3A_15, %parallel_loop3A_16 : i32
      %parallel_loop3A_18 = arith.index_cast %parallel_loop3A_17 : i32 to index
      %parallel_loop3A_19 = tpu.vector_load %arg5[%parallel_loop3A_18] {strides = array<i32>} : memref<10000xf32, #tpu.memory_space<vmem>>, vector<16xf32>,
      tpu.vector_store %arg5[%parallel_loop3A_18], %broadcast_in_dim3A_6 {strides = array<i32>} : memref<10000xf32, #tpu.memory_space<vmem>>, vector<16xf32>,
    } {sc.loop_unroll_factor = 5 : i64, sc.parallel_access}
    %dma_wait3A = tpu.memref_slice %arg2[%add3A_4] : memref<640000xi32, #tpu.memory_space<hbm>> -> memref<10000xi32, #tpu.memory_space<hbm>>
    %dma_wait3A_9 = tpu.memref_slice %arg2[%add3A_4] : memref<640000xi32, #tpu.memory_space<hbm>> -> memref<10000xi32, #tpu.memory_space<hbm>>
    tpu.wait_dma2 semaphore(%arg6 : memref<!tpu.dma_semaphore, #tpu.memory_space<semaphore_mem>>) src(%dma_wait3A_9 : memref<10000xi32, #tpu.memory_space<hbm>>) dst(%arg4 : memref<10000xi32, #tpu.memory_space<vmem>>)
    %broadcast_in_dim3A_10 = arith.constant 1.000000e+00 : f32
    %broadcast_in_dim3A_11 = vector.broadcast %broadcast_in_dim3A_10 : f32 to vector<16xf32>
    %parallel_loop3A_12 = arith.constant 0 : i32
    %parallel_loop3A_13 = arith.constant 625 : i32
    %parallel_loop3A_14 = arith.constant 1 : i32
    scf.for %parallel_loop3A_15 = %parallel_loop3A_12 to %parallel_loop3A_13 step %parallel_loop3A_14  : i32 {
      %parallel_loop3A_16 = arith.constant 16 : i32
      %parallel_loop3A_17 = arith.muli %parallel_loop3A_15, %parallel_loop3A_16 : i32
      %parallel_loop3A_18 = arith.index_cast %parallel_loop3A_17 : i32 to index
      %parallel_loop3A_19 = tpu.vector_load %arg4[%parallel_loop3A_18] {strides = array<i32>} : memref<10000xi32, #tpu.memory_space<vmem>>, vector<16xi32>,
      tpu.vector_store_idx %arg5[%parallel_loop3A_19], %broadcast_in_dim3A_11 {add = true} : memref<10000xf32, #tpu.memory_space<vmem>>[vector<16xi32>], vector<16xf32>,
    } {sc.loop_unroll_factor = 5 : i64, sc.parallel_access}
    "tpu.region"() ({
      %run_scoped3A = tpu.sem_alloc : memref<!tpu.dma_semaphore, #tpu.memory_space<semaphore_mem>>
      %dma_start3A_15 = arith.constant 0 : i32
      %dma_start3A_16 = tpu.memref_slice %arg3[%add3A, %dma_start3A_15] : memref<32x10000xf32, #tpu.memory_space<hbm>> -> memref<1x10000xf32, #tpu.memory_space<hbm>>
      %dma_start3A_17 = tpu.memref_squeeze %dma_start3A_16 : memref<1x10000xf32, #tpu.memory_space<hbm>> -> memref<10000xf32, #tpu.memory_space<hbm>>
      %dma_start3A_18 = arith.constant 0 : i32
      %dma_start3A_19 = tpu.memref_slice %arg3[%add3A, %dma_start3A_18] : memref<32x10000xf32, #tpu.memory_space<hbm>> -> memref<1x10000xf32, #tpu.memory_space<hbm>>
      %dma_start3A_20 = tpu.memref_squeeze %dma_start3A_19 : memref<1x10000xf32, #tpu.memory_space<hbm>> -> memref<10000xf32, #tpu.memory_space<hbm>>
      tpu.enqueue_dma source(%arg5 : memref<10000xf32, #tpu.memory_space<vmem>>) target(%dma_start3A_20 : memref<10000xf32, #tpu.memory_space<hbm>>) target_semaphore(%run_scoped3A : memref<!tpu.dma_semaphore, #tpu.memory_space<semaphore_mem>>)
      %dma_wait3A_21 = arith.constant 0 : i32
      %dma_wait3A_22 = tpu.memref_slice %arg3[%add3A, %dma_wait3A_21] : memref<32x10000xf32, #tpu.memory_space<hbm>> -> memref<1x10000xf32, #tpu.memory_space<hbm>>
      %dma_wait3A_23 = tpu.memref_squeeze %dma_wait3A_22 : memref<1x10000xf32, #tpu.memory_space<hbm>> -> memref<10000xf32, #tpu.memory_space<hbm>>
      %dma_wait3A_24 = arith.constant 0 : i32
      %dma_wait3A_25 = tpu.memref_slice %arg3[%add3A, %dma_wait3A_24] : memref<32x10000xf32, #tpu.memory_space<hbm>> -> memref<1x10000xf32, #tpu.memory_space<hbm>>
      %dma_wait3A_26 = tpu.memref_squeeze %dma_wait3A_25 : memref<1x10000xf32, #tpu.memory_space<hbm>> -> memref<10000xf32, #tpu.memory_space<hbm>>
      tpu.wait_dma2 semaphore(%run_scoped3A : memref<!tpu.dma_semaphore, #tpu.memory_space<semaphore_mem>>) src(%arg5 : memref<10000xf32, #tpu.memory_space<vmem>>) dst(%dma_wait3A_26 : memref<10000xf32, #tpu.memory_space<hbm>>)
      tpu.yield
    }) : () -> ()
    return
  }
}

#map = affine_map<(d0, d1) -> (0)>
#map1 = affine_map<(d0, d1) -> (0, 0)>
module attributes {stable_mosaic.version = 14 : i64} {
  func.func @edge_kernel(%arg0: i32, %arg1: i32, %arg2: memref<640000xi32, #tpu.memory_space<hbm>>, %arg3: memref<40000xf32, #tpu.memory_space<hbm>>, %arg4: memref<32x40000xf32, #tpu.memory_space<hbm>>, %arg5: memref<10000xi32, #tpu.memory_space<vmem>>, %arg6: memref<10000xi32, #tpu.memory_space<vmem>>, %arg7: memref<40000xf32, #tpu.memory_space<vmem>>, %arg8: memref<40000xf32, #tpu.memory_space<vmem>>, %arg9: memref<40000xf32, #tpu.memory_space<vmem_shared>>, %arg10: memref<!tpu.dma_semaphore, #tpu.memory_space<semaphore_mem>>, %arg11: memref<!tpu.dma_semaphore, #tpu.memory_space<semaphore_mem>>) attributes {dimension_semantics = [#tpu.dimension_semantics<core_parallel>, #tpu.dimension_semantics<subcore_parallel>], iteration_bounds = array<i64: 2, 16>, scalar_prefetch = 0 : i64, scratch_operands = 7 : i64, tpu.core_type = #tpu.core_type<sc_vector_subcore>, window_params = [{transform_indices = #map}, {transform_indices = #map}, {transform_indices = #map1}]} {
    %mul3A = arith.constant 2 : i32
    %mul3A_0 = arith.muli %arg1, %mul3A : i32
    %add3A = arith.addi %mul3A_0, %arg0 : i32
    %mul3A_1 = arith.constant 10000 : i32
    %mul3A_2 = arith.muli %add3A, %mul3A_1 : i32
    %dma_start3A = tpu.memref_slice %arg2[%mul3A_2] : memref<640000xi32, #tpu.memory_space<hbm>> -> memref<10000xi32, #tpu.memory_space<hbm>>
    %dma_start3A_3 = tpu.memref_slice %arg2[%mul3A_2] : memref<640000xi32, #tpu.memory_space<hbm>> -> memref<10000xi32, #tpu.memory_space<hbm>>
    tpu.enqueue_dma source(%dma_start3A_3 : memref<10000xi32, #tpu.memory_space<hbm>>) target(%arg5 : memref<10000xi32, #tpu.memory_space<vmem>>) target_semaphore(%arg10 : memref<!tpu.dma_semaphore, #tpu.memory_space<semaphore_mem>>)
    %mul3A_4 = arith.constant 10000 : i32
    %mul3A_5 = arith.muli %add3A, %mul3A_4 : i32
    %add3A_6 = arith.constant 320000 : i32
    %add3A_7 = arith.addi %add3A_6, %mul3A_5 : i32
    %dma_start3A_8 = tpu.memref_slice %arg2[%add3A_7] : memref<640000xi32, #tpu.memory_space<hbm>> -> memref<10000xi32, #tpu.memory_space<hbm>>
    %dma_start3A_9 = tpu.memref_slice %arg2[%add3A_7] : memref<640000xi32, #tpu.memory_space<hbm>> -> memref<10000xi32, #tpu.memory_space<hbm>>
    tpu.enqueue_dma source(%dma_start3A_9 : memref<10000xi32, #tpu.memory_space<hbm>>) target(%arg6 : memref<10000xi32, #tpu.memory_space<vmem>>) target_semaphore(%arg11 : memref<!tpu.dma_semaphore, #tpu.memory_space<semaphore_mem>>)
    %eq3A = arith.constant 0 : i32
    %eq3A_10 = arith.cmpi eq, %arg1, %eq3A : i32
    %convert_element_type3A = arith.extui %eq3A_10 : i1 to i32
    %cond3A = arith.constant 0 : i32
    %cond3A_11 = arith.cmpi ne, %convert_element_type3A, %cond3A : i32
    scf.if %cond3A_11 {
      "tpu.region"() ({
        %run_scoped3A = tpu.sem_alloc : memref<!tpu.dma_semaphore, #tpu.memory_space<semaphore_mem>>
        tpu.enqueue_dma source(%arg3 : memref<40000xf32, #tpu.memory_space<hbm>>) target(%arg9 : memref<40000xf32, #tpu.memory_space<vmem_shared>>) target_semaphore(%run_scoped3A : memref<!tpu.dma_semaphore, #tpu.memory_space<semaphore_mem>>)
        tpu.wait_dma2 semaphore(%run_scoped3A : memref<!tpu.dma_semaphore, #tpu.memory_space<semaphore_mem>>) src(%arg3 : memref<40000xf32, #tpu.memory_space<hbm>>) dst(%arg9 : memref<40000xf32, #tpu.memory_space<vmem_shared>>)
        tpu.yield
      }) : () -> ()
    } else {
    }
    %broadcast_in_dim3A = arith.constant 0.000000e+00 : f32
    %broadcast_in_dim3A_12 = vector.broadcast %broadcast_in_dim3A : f32 to vector<16xf32>
    %parallel_loop3A = arith.constant 0 : i32
    %parallel_loop3A_13 = arith.constant 2500 : i32
    %parallel_loop3A_14 = arith.constant 1 : i32
    scf.for %parallel_loop3A_21 = %parallel_loop3A to %parallel_loop3A_13 step %parallel_loop3A_14  : i32 {
      %parallel_loop3A_22 = arith.constant 16 : i32
      %parallel_loop3A_23 = arith.muli %parallel_loop3A_21, %parallel_loop3A_22 : i32
      %parallel_loop3A_24 = arith.index_cast %parallel_loop3A_23 : i32 to index
      %parallel_loop3A_25 = tpu.vector_load %arg8[%parallel_loop3A_24] {strides = array<i32>} : memref<40000xf32, #tpu.memory_space<vmem>>, vector<16xf32>,
      tpu.vector_store %arg8[%parallel_loop3A_24], %broadcast_in_dim3A_12 {strides = array<i32>} : memref<40000xf32, #tpu.memory_space<vmem>>, vector<16xf32>,
    } {sc.loop_unroll_factor = 5 : i64, sc.parallel_access}
    %barrier3A = arith.constant 0 : index
    tpu.barrier barrier_id(%barrier3A)
    "tpu.region"() ({
      %run_scoped3A = tpu.sem_alloc : memref<!tpu.dma_semaphore, #tpu.memory_space<semaphore_mem>>
      tpu.enqueue_dma source(%arg9 : memref<40000xf32, #tpu.memory_space<vmem_shared>>) target(%arg7 : memref<40000xf32, #tpu.memory_space<vmem>>) target_semaphore(%run_scoped3A : memref<!tpu.dma_semaphore, #tpu.memory_space<semaphore_mem>>)
      tpu.wait_dma2 semaphore(%run_scoped3A : memref<!tpu.dma_semaphore, #tpu.memory_space<semaphore_mem>>) src(%arg9 : memref<40000xf32, #tpu.memory_space<vmem_shared>>) dst(%arg7 : memref<40000xf32, #tpu.memory_space<vmem>>)
      tpu.yield
    }) : () -> ()
    %dma_wait3A = tpu.memref_slice %arg2[%mul3A_2] : memref<640000xi32, #tpu.memory_space<hbm>> -> memref<10000xi32, #tpu.memory_space<hbm>>
    %dma_wait3A_15 = tpu.memref_slice %arg2[%mul3A_2] : memref<640000xi32, #tpu.memory_space<hbm>> -> memref<10000xi32, #tpu.memory_space<hbm>>
    tpu.wait_dma2 semaphore(%arg10 : memref<!tpu.dma_semaphore, #tpu.memory_space<semaphore_mem>>) src(%dma_wait3A_15 : memref<10000xi32, #tpu.memory_space<hbm>>) dst(%arg5 : memref<10000xi32, #tpu.memory_space<vmem>>)
    %dma_wait3A_16 = tpu.memref_slice %arg2[%add3A_7] : memref<640000xi32, #tpu.memory_space<hbm>> -> memref<10000xi32, #tpu.memory_space<hbm>>
    %dma_wait3A_17 = tpu.memref_slice %arg2[%add3A_7] : memref<640000xi32, #tpu.memory_space<hbm>> -> memref<10000xi32, #tpu.memory_space<hbm>>
    tpu.wait_dma2 semaphore(%arg11 : memref<!tpu.dma_semaphore, #tpu.memory_space<semaphore_mem>>) src(%dma_wait3A_17 : memref<10000xi32, #tpu.memory_space<hbm>>) dst(%arg6 : memref<10000xi32, #tpu.memory_space<vmem>>)
    %parallel_loop3A_18 = arith.constant 0 : i32
    %parallel_loop3A_19 = arith.constant 625 : i32
    %parallel_loop3A_20 = arith.constant 1 : i32
    scf.for %parallel_loop3A_21 = %parallel_loop3A_18 to %parallel_loop3A_19 step %parallel_loop3A_20  : i32 {
      %parallel_loop3A_22 = arith.constant 16 : i32
      %parallel_loop3A_23 = arith.muli %parallel_loop3A_21, %parallel_loop3A_22 : i32
      %parallel_loop3A_24 = arith.index_cast %parallel_loop3A_23 : i32 to index
      %parallel_loop3A_25 = tpu.vector_load %arg5[%parallel_loop3A_24] {strides = array<i32>} : memref<10000xi32, #tpu.memory_space<vmem>>, vector<16xi32>,
      %parallel_loop3A_26 = arith.index_cast %parallel_loop3A_23 : i32 to index
      %parallel_loop3A_27 = tpu.vector_load %arg6[%parallel_loop3A_26] {strides = array<i32>} : memref<10000xi32, #tpu.memory_space<vmem>>, vector<16xi32>,
      %parallel_loop3A_28 = arith.constant 0 : i32
      %parallel_loop3A_29 = vector.broadcast %parallel_loop3A_28 : i32 to vector<16xi32>
      %parallel_loop3A_30 = arith.addi %parallel_loop3A_25, %parallel_loop3A_29 : vector<16xi32>
      %parallel_loop3A_31 = tpu.vector_load_idx %arg7[%parallel_loop3A_30] : memref<40000xf32, #tpu.memory_space<vmem>>[vector<16xi32>], vector<16xf32>,
      %parallel_loop3A_32 = arith.constant 0 : i32
      %parallel_loop3A_33 = vector.broadcast %parallel_loop3A_32 : i32 to vector<16xi32>
      %parallel_loop3A_34 = arith.addi %parallel_loop3A_27, %parallel_loop3A_33 : vector<16xi32>
      tpu.vector_store_idx %arg8[%parallel_loop3A_34], %parallel_loop3A_31 {add = true} : memref<40000xf32, #tpu.memory_space<vmem>>[vector<16xi32>], vector<16xf32>,
      %parallel_loop3A_35 = arith.constant 10000 : i32
      %parallel_loop3A_36 = vector.broadcast %parallel_loop3A_35 : i32 to vector<16xi32>
      %parallel_loop3A_37 = arith.addi %parallel_loop3A_25, %parallel_loop3A_36 : vector<16xi32>
      %parallel_loop3A_38 = tpu.vector_load_idx %arg7[%parallel_loop3A_37] : memref<40000xf32, #tpu.memory_space<vmem>>[vector<16xi32>], vector<16xf32>,
      %parallel_loop3A_39 = arith.constant 10000 : i32
      %parallel_loop3A_40 = vector.broadcast %parallel_loop3A_39 : i32 to vector<16xi32>
      %parallel_loop3A_41 = arith.addi %parallel_loop3A_27, %parallel_loop3A_40 : vector<16xi32>
      tpu.vector_store_idx %arg8[%parallel_loop3A_41], %parallel_loop3A_38 {add = true} : memref<40000xf32, #tpu.memory_space<vmem>>[vector<16xi32>], vector<16xf32>,
      %parallel_loop3A_42 = arith.constant 20000 : i32
      %parallel_loop3A_43 = vector.broadcast %parallel_loop3A_42 : i32 to vector<16xi32>
      %parallel_loop3A_44 = arith.addi %parallel_loop3A_25, %parallel_loop3A_43 : vector<16xi32>
      %parallel_loop3A_45 = tpu.vector_load_idx %arg7[%parallel_loop3A_44] : memref<40000xf32, #tpu.memory_space<vmem>>[vector<16xi32>], vector<16xf32>,
      %parallel_loop3A_46 = arith.constant 20000 : i32
      %parallel_loop3A_47 = vector.broadcast %parallel_loop3A_46 : i32 to vector<16xi32>
      %parallel_loop3A_48 = arith.addi %parallel_loop3A_27, %parallel_loop3A_47 : vector<16xi32>
      tpu.vector_store_idx %arg8[%parallel_loop3A_48], %parallel_loop3A_45 {add = true} : memref<40000xf32, #tpu.memory_space<vmem>>[vector<16xi32>], vector<16xf32>,
      %parallel_loop3A_49 = arith.constant 30000 : i32
      %parallel_loop3A_50 = vector.broadcast %parallel_loop3A_49 : i32 to vector<16xi32>
      %parallel_loop3A_51 = arith.addi %parallel_loop3A_25, %parallel_loop3A_50 : vector<16xi32>
      %parallel_loop3A_52 = tpu.vector_load_idx %arg7[%parallel_loop3A_51] : memref<40000xf32, #tpu.memory_space<vmem>>[vector<16xi32>], vector<16xf32>,
      %parallel_loop3A_53 = arith.constant 30000 : i32
      %parallel_loop3A_54 = vector.broadcast %parallel_loop3A_53 : i32 to vector<16xi32>
      %parallel_loop3A_55 = arith.addi %parallel_loop3A_27, %parallel_loop3A_54 : vector<16xi32>
      tpu.vector_store_idx %arg8[%parallel_loop3A_55], %parallel_loop3A_52 {add = true} : memref<40000xf32, #tpu.memory_space<vmem>>[vector<16xi32>], vector<16xf32>,
    } {sc.loop_unroll_factor = 5 : i64, sc.parallel_access}
    "tpu.region"() ({
      %run_scoped3A = tpu.sem_alloc : memref<!tpu.dma_semaphore, #tpu.memory_space<semaphore_mem>>
      %dma_start3A_21 = arith.constant 0 : i32
      %dma_start3A_22 = tpu.memref_slice %arg4[%add3A, %dma_start3A_21] : memref<32x40000xf32, #tpu.memory_space<hbm>> -> memref<1x40000xf32, #tpu.memory_space<hbm>>
      %dma_start3A_23 = tpu.memref_squeeze %dma_start3A_22 : memref<1x40000xf32, #tpu.memory_space<hbm>> -> memref<40000xf32, #tpu.memory_space<hbm>>
      %dma_start3A_24 = arith.constant 0 : i32
      %dma_start3A_25 = tpu.memref_slice %arg4[%add3A, %dma_start3A_24] : memref<32x40000xf32, #tpu.memory_space<hbm>> -> memref<1x40000xf32, #tpu.memory_space<hbm>>
      %dma_start3A_26 = tpu.memref_squeeze %dma_start3A_25 : memref<1x40000xf32, #tpu.memory_space<hbm>> -> memref<40000xf32, #tpu.memory_space<hbm>>
      tpu.enqueue_dma source(%arg8 : memref<40000xf32, #tpu.memory_space<vmem>>) target(%dma_start3A_26 : memref<40000xf32, #tpu.memory_space<hbm>>) target_semaphore(%run_scoped3A : memref<!tpu.dma_semaphore, #tpu.memory_space<semaphore_mem>>)
      %dma_wait3A_27 = arith.constant 0 : i32
      %dma_wait3A_28 = tpu.memref_slice %arg4[%add3A, %dma_wait3A_27] : memref<32x40000xf32, #tpu.memory_space<hbm>> -> memref<1x40000xf32, #tpu.memory_space<hbm>>
      %dma_wait3A_29 = tpu.memref_squeeze %dma_wait3A_28 : memref<1x40000xf32, #tpu.memory_space<hbm>> -> memref<40000xf32, #tpu.memory_space<hbm>>
      %dma_wait3A_30 = arith.constant 0 : i32
      %dma_wait3A_31 = tpu.memref_slice %arg4[%add3A, %dma_wait3A_30] : memref<32x40000xf32, #tpu.memory_space<hbm>> -> memref<1x40000xf32, #tpu.memory_space<hbm>>
      %dma_wait3A_32 = tpu.memref_squeeze %dma_wait3A_31 : memref<1x40000xf32, #tpu.memory_space<hbm>> -> memref<40000xf32, #tpu.memory_space<hbm>>
      tpu.wait_dma2 semaphore(%run_scoped3A : memref<!tpu.dma_semaphore, #tpu.memory_space<semaphore_mem>>) src(%arg8 : memref<40000xf32, #tpu.memory_space<vmem>>) dst(%dma_wait3A_32 : memref<40000xf32, #tpu.memory_space<hbm>>)
      tpu.yield
    }) : () -> ()
    return
  }
}

#map = affine_map<(d0, d1) -> (0)>
#map1 = affine_map<(d0, d1) -> (0, 0)>
module attributes {stable_mosaic.version = 14 : i64} {
  func.func @edge_kernel(%arg0: i32, %arg1: i32, %arg2: memref<640000xi32, #tpu.memory_space<hbm>>, %arg3: memref<40000xf32, #tpu.memory_space<hbm>>, %arg4: memref<32x40000xf32, #tpu.memory_space<hbm>>, %arg5: memref<10000xi32, #tpu.memory_space<vmem>>, %arg6: memref<10000xi32, #tpu.memory_space<vmem>>, %arg7: memref<40000xf32, #tpu.memory_space<vmem>>, %arg8: memref<40000xf32, #tpu.memory_space<vmem>>, %arg9: memref<40000xf32, #tpu.memory_space<vmem_shared>>, %arg10: memref<!tpu.dma_semaphore, #tpu.memory_space<semaphore_mem>>, %arg11: memref<!tpu.dma_semaphore, #tpu.memory_space<semaphore_mem>>) attributes {dimension_semantics = [#tpu.dimension_semantics<core_parallel>, #tpu.dimension_semantics<subcore_parallel>], iteration_bounds = array<i64: 2, 16>, scalar_prefetch = 0 : i64, scratch_operands = 7 : i64, tpu.core_type = #tpu.core_type<sc_vector_subcore>, window_params = [{transform_indices = #map}, {transform_indices = #map}, {transform_indices = #map1}]} {
    %mul3A = arith.constant 2 : i32
    %mul3A_0 = arith.muli %arg1, %mul3A : i32
    %add3A = arith.addi %mul3A_0, %arg0 : i32
    %mul3A_1 = arith.constant 10000 : i32
    %mul3A_2 = arith.muli %add3A, %mul3A_1 : i32
    %dma_start3A = tpu.memref_slice %arg2[%mul3A_2] : memref<640000xi32, #tpu.memory_space<hbm>> -> memref<10000xi32, #tpu.memory_space<hbm>>
    %dma_start3A_3 = tpu.memref_slice %arg2[%mul3A_2] : memref<640000xi32, #tpu.memory_space<hbm>> -> memref<10000xi32, #tpu.memory_space<hbm>>
    tpu.enqueue_dma source(%dma_start3A_3 : memref<10000xi32, #tpu.memory_space<hbm>>) target(%arg5 : memref<10000xi32, #tpu.memory_space<vmem>>) target_semaphore(%arg10 : memref<!tpu.dma_semaphore, #tpu.memory_space<semaphore_mem>>)
    %mul3A_4 = arith.constant 10000 : i32
    %mul3A_5 = arith.muli %add3A, %mul3A_4 : i32
    %add3A_6 = arith.constant 320000 : i32
    %add3A_7 = arith.addi %add3A_6, %mul3A_5 : i32
    %dma_start3A_8 = tpu.memref_slice %arg2[%add3A_7] : memref<640000xi32, #tpu.memory_space<hbm>> -> memref<10000xi32, #tpu.memory_space<hbm>>
    %dma_start3A_9 = tpu.memref_slice %arg2[%add3A_7] : memref<640000xi32, #tpu.memory_space<hbm>> -> memref<10000xi32, #tpu.memory_space<hbm>>
    tpu.enqueue_dma source(%dma_start3A_9 : memref<10000xi32, #tpu.memory_space<hbm>>) target(%arg6 : memref<10000xi32, #tpu.memory_space<vmem>>) target_semaphore(%arg11 : memref<!tpu.dma_semaphore, #tpu.memory_space<semaphore_mem>>)
    %eq3A = arith.constant 0 : i32
    %eq3A_10 = arith.cmpi eq, %arg1, %eq3A : i32
    %convert_element_type3A = arith.extui %eq3A_10 : i1 to i32
    %cond3A = arith.constant 0 : i32
    %cond3A_11 = arith.cmpi ne, %convert_element_type3A, %cond3A : i32
    scf.if %cond3A_11 {
      "tpu.region"() ({
        %run_scoped3A = tpu.sem_alloc : memref<!tpu.dma_semaphore, #tpu.memory_space<semaphore_mem>>
        tpu.enqueue_dma source(%arg3 : memref<40000xf32, #tpu.memory_space<hbm>>) target(%arg9 : memref<40000xf32, #tpu.memory_space<vmem_shared>>) target_semaphore(%run_scoped3A : memref<!tpu.dma_semaphore, #tpu.memory_space<semaphore_mem>>)
        tpu.wait_dma2 semaphore(%run_scoped3A : memref<!tpu.dma_semaphore, #tpu.memory_space<semaphore_mem>>) src(%arg3 : memref<40000xf32, #tpu.memory_space<hbm>>) dst(%arg9 : memref<40000xf32, #tpu.memory_space<vmem_shared>>)
        tpu.yield
      }) : () -> ()
    } else {
    }
    %broadcast_in_dim3A = arith.constant 0.000000e+00 : f32
    %broadcast_in_dim3A_12 = vector.broadcast %broadcast_in_dim3A : f32 to vector<16xf32>
    %parallel_loop3A = arith.constant 0 : i32
    %parallel_loop3A_13 = arith.constant 2500 : i32
    %parallel_loop3A_14 = arith.constant 1 : i32
    scf.for %parallel_loop3A_21 = %parallel_loop3A to %parallel_loop3A_13 step %parallel_loop3A_14  : i32 {
      %parallel_loop3A_22 = arith.constant 16 : i32
      %parallel_loop3A_23 = arith.muli %parallel_loop3A_21, %parallel_loop3A_22 : i32
      %parallel_loop3A_24 = arith.index_cast %parallel_loop3A_23 : i32 to index
      %parallel_loop3A_25 = tpu.vector_load %arg8[%parallel_loop3A_24] {strides = array<i32>} : memref<40000xf32, #tpu.memory_space<vmem>>, vector<16xf32>,
      tpu.vector_store %arg8[%parallel_loop3A_24], %broadcast_in_dim3A_12 {strides = array<i32>} : memref<40000xf32, #tpu.memory_space<vmem>>, vector<16xf32>,
    } {sc.loop_unroll_factor = 5 : i64, sc.parallel_access}
    %barrier3A = arith.constant 0 : index
    tpu.barrier barrier_id(%barrier3A)
    "tpu.region"() ({
      %run_scoped3A = tpu.sem_alloc : memref<!tpu.dma_semaphore, #tpu.memory_space<semaphore_mem>>
      tpu.enqueue_dma source(%arg9 : memref<40000xf32, #tpu.memory_space<vmem_shared>>) target(%arg7 : memref<40000xf32, #tpu.memory_space<vmem>>) target_semaphore(%run_scoped3A : memref<!tpu.dma_semaphore, #tpu.memory_space<semaphore_mem>>)
      tpu.wait_dma2 semaphore(%run_scoped3A : memref<!tpu.dma_semaphore, #tpu.memory_space<semaphore_mem>>) src(%arg9 : memref<40000xf32, #tpu.memory_space<vmem_shared>>) dst(%arg7 : memref<40000xf32, #tpu.memory_space<vmem>>)
      tpu.yield
    }) : () -> ()
    %dma_wait3A = tpu.memref_slice %arg2[%mul3A_2] : memref<640000xi32, #tpu.memory_space<hbm>> -> memref<10000xi32, #tpu.memory_space<hbm>>
    %dma_wait3A_15 = tpu.memref_slice %arg2[%mul3A_2] : memref<640000xi32, #tpu.memory_space<hbm>> -> memref<10000xi32, #tpu.memory_space<hbm>>
    tpu.wait_dma2 semaphore(%arg10 : memref<!tpu.dma_semaphore, #tpu.memory_space<semaphore_mem>>) src(%dma_wait3A_15 : memref<10000xi32, #tpu.memory_space<hbm>>) dst(%arg5 : memref<10000xi32, #tpu.memory_space<vmem>>)
    %dma_wait3A_16 = tpu.memref_slice %arg2[%add3A_7] : memref<640000xi32, #tpu.memory_space<hbm>> -> memref<10000xi32, #tpu.memory_space<hbm>>
    %dma_wait3A_17 = tpu.memref_slice %arg2[%add3A_7] : memref<640000xi32, #tpu.memory_space<hbm>> -> memref<10000xi32, #tpu.memory_space<hbm>>
    tpu.wait_dma2 semaphore(%arg11 : memref<!tpu.dma_semaphore, #tpu.memory_space<semaphore_mem>>) src(%dma_wait3A_17 : memref<10000xi32, #tpu.memory_space<hbm>>) dst(%arg6 : memref<10000xi32, #tpu.memory_space<vmem>>)
    %parallel_loop3A_18 = arith.constant 0 : i32
    %parallel_loop3A_19 = arith.constant 625 : i32
    %parallel_loop3A_20 = arith.constant 1 : i32
    scf.for %parallel_loop3A_21 = %parallel_loop3A_18 to %parallel_loop3A_19 step %parallel_loop3A_20  : i32 {
      %parallel_loop3A_22 = arith.constant 16 : i32
      %parallel_loop3A_23 = arith.muli %parallel_loop3A_21, %parallel_loop3A_22 : i32
      %parallel_loop3A_24 = arith.index_cast %parallel_loop3A_23 : i32 to index
      %parallel_loop3A_25 = tpu.vector_load %arg5[%parallel_loop3A_24] {strides = array<i32>} : memref<10000xi32, #tpu.memory_space<vmem>>, vector<16xi32>,
      %parallel_loop3A_26 = arith.index_cast %parallel_loop3A_23 : i32 to index
      %parallel_loop3A_27 = tpu.vector_load %arg6[%parallel_loop3A_26] {strides = array<i32>} : memref<10000xi32, #tpu.memory_space<vmem>>, vector<16xi32>,
      %parallel_loop3A_28 = arith.constant 0 : i32
      %parallel_loop3A_29 = vector.broadcast %parallel_loop3A_28 : i32 to vector<16xi32>
      %parallel_loop3A_30 = arith.addi %parallel_loop3A_25, %parallel_loop3A_29 : vector<16xi32>
      %parallel_loop3A_31 = tpu.vector_load_idx %arg7[%parallel_loop3A_30] : memref<40000xf32, #tpu.memory_space<vmem>>[vector<16xi32>], vector<16xf32>,
      %parallel_loop3A_32 = arith.constant 0 : i32
      %parallel_loop3A_33 = vector.broadcast %parallel_loop3A_32 : i32 to vector<16xi32>
      %parallel_loop3A_34 = arith.addi %parallel_loop3A_27, %parallel_loop3A_33 : vector<16xi32>
      tpu.vector_store_idx %arg8[%parallel_loop3A_34], %parallel_loop3A_31 {add = true} : memref<40000xf32, #tpu.memory_space<vmem>>[vector<16xi32>], vector<16xf32>,
      %parallel_loop3A_35 = arith.constant 10000 : i32
      %parallel_loop3A_36 = vector.broadcast %parallel_loop3A_35 : i32 to vector<16xi32>
      %parallel_loop3A_37 = arith.addi %parallel_loop3A_25, %parallel_loop3A_36 : vector<16xi32>
      %parallel_loop3A_38 = tpu.vector_load_idx %arg7[%parallel_loop3A_37] : memref<40000xf32, #tpu.memory_space<vmem>>[vector<16xi32>], vector<16xf32>,
      %parallel_loop3A_39 = arith.constant 10000 : i32
      %parallel_loop3A_40 = vector.broadcast %parallel_loop3A_39 : i32 to vector<16xi32>
      %parallel_loop3A_41 = arith.addi %parallel_loop3A_27, %parallel_loop3A_40 : vector<16xi32>
      tpu.vector_store_idx %arg8[%parallel_loop3A_41], %parallel_loop3A_38 {add = true} : memref<40000xf32, #tpu.memory_space<vmem>>[vector<16xi32>], vector<16xf32>,
      %parallel_loop3A_42 = arith.constant 20000 : i32
      %parallel_loop3A_43 = vector.broadcast %parallel_loop3A_42 : i32 to vector<16xi32>
      %parallel_loop3A_44 = arith.addi %parallel_loop3A_25, %parallel_loop3A_43 : vector<16xi32>
      %parallel_loop3A_45 = tpu.vector_load_idx %arg7[%parallel_loop3A_44] : memref<40000xf32, #tpu.memory_space<vmem>>[vector<16xi32>], vector<16xf32>,
      %parallel_loop3A_46 = arith.constant 20000 : i32
      %parallel_loop3A_47 = vector.broadcast %parallel_loop3A_46 : i32 to vector<16xi32>
      %parallel_loop3A_48 = arith.addi %parallel_loop3A_27, %parallel_loop3A_47 : vector<16xi32>
      tpu.vector_store_idx %arg8[%parallel_loop3A_48], %parallel_loop3A_45 {add = true} : memref<40000xf32, #tpu.memory_space<vmem>>[vector<16xi32>], vector<16xf32>,
      %parallel_loop3A_49 = arith.constant 30000 : i32
      %parallel_loop3A_50 = vector.broadcast %parallel_loop3A_49 : i32 to vector<16xi32>
      %parallel_loop3A_51 = arith.addi %parallel_loop3A_25, %parallel_loop3A_50 : vector<16xi32>
      %parallel_loop3A_52 = tpu.vector_load_idx %arg7[%parallel_loop3A_51] : memref<40000xf32, #tpu.memory_space<vmem>>[vector<16xi32>], vector<16xf32>,
      %parallel_loop3A_53 = arith.constant 30000 : i32
      %parallel_loop3A_54 = vector.broadcast %parallel_loop3A_53 : i32 to vector<16xi32>
      %parallel_loop3A_55 = arith.addi %parallel_loop3A_27, %parallel_loop3A_54 : vector<16xi32>
      tpu.vector_store_idx %arg8[%parallel_loop3A_55], %parallel_loop3A_52 {add = true} : memref<40000xf32, #tpu.memory_space<vmem>>[vector<16xi32>], vector<16xf32>,
    } {sc.loop_unroll_factor = 5 : i64, sc.parallel_access}
    "tpu.region"() ({
      %run_scoped3A = tpu.sem_alloc : memref<!tpu.dma_semaphore, #tpu.memory_space<semaphore_mem>>
      %dma_start3A_21 = arith.constant 0 : i32
      %dma_start3A_22 = tpu.memref_slice %arg4[%add3A, %dma_start3A_21] : memref<32x40000xf32, #tpu.memory_space<hbm>> -> memref<1x40000xf32, #tpu.memory_space<hbm>>
      %dma_start3A_23 = tpu.memref_squeeze %dma_start3A_22 : memref<1x40000xf32, #tpu.memory_space<hbm>> -> memref<40000xf32, #tpu.memory_space<hbm>>
      %dma_start3A_24 = arith.constant 0 : i32
      %dma_start3A_25 = tpu.memref_slice %arg4[%add3A, %dma_start3A_24] : memref<32x40000xf32, #tpu.memory_space<hbm>> -> memref<1x40000xf32, #tpu.memory_space<hbm>>
      %dma_start3A_26 = tpu.memref_squeeze %dma_start3A_25 : memref<1x40000xf32, #tpu.memory_space<hbm>> -> memref<40000xf32, #tpu.memory_space<hbm>>
      tpu.enqueue_dma source(%arg8 : memref<40000xf32, #tpu.memory_space<vmem>>) target(%dma_start3A_26 : memref<40000xf32, #tpu.memory_space<hbm>>) target_semaphore(%run_scoped3A : memref<!tpu.dma_semaphore, #tpu.memory_space<semaphore_mem>>)
      %dma_wait3A_27 = arith.constant 0 : i32
      %dma_wait3A_28 = tpu.memref_slice %arg4[%add3A, %dma_wait3A_27] : memref<32x40000xf32, #tpu.memory_space<hbm>> -> memref<1x40000xf32, #tpu.memory_space<hbm>>
      %dma_wait3A_29 = tpu.memref_squeeze %dma_wait3A_28 : memref<1x40000xf32, #tpu.memory_space<hbm>> -> memref<40000xf32, #tpu.memory_space<hbm>>
      %dma_wait3A_30 = arith.constant 0 : i32
      %dma_wait3A_31 = tpu.memref_slice %arg4[%add3A, %dma_wait3A_30] : memref<32x40000xf32, #tpu.memory_space<hbm>> -> memref<1x40000xf32, #tpu.memory_space<hbm>>
      %dma_wait3A_32 = tpu.memref_squeeze %dma_wait3A_31 : memref<1x40000xf32, #tpu.memory_space<hbm>> -> memref<40000xf32, #tpu.memory_space<hbm>>
      tpu.wait_dma2 semaphore(%run_scoped3A : memref<!tpu.dma_semaphore, #tpu.memory_space<semaphore_mem>>) src(%arg8 : memref<40000xf32, #tpu.memory_space<vmem>>) dst(%dma_wait3A_32 : memref<40000xf32, #tpu.memory_space<hbm>>)
      tpu.yield
    }) : () -> ()
    return
  }
}

#map = affine_map<(d0, d1) -> (0)>
#map1 = affine_map<(d0, d1) -> (0, 0)>
module attributes {stable_mosaic.version = 14 : i64} {
  func.func @edge_kernel(%arg0: i32, %arg1: i32, %arg2: memref<640000xi32, #tpu.memory_space<hbm>>, %arg3: memref<20000xf32, #tpu.memory_space<hbm>>, %arg4: memref<32x20000xf32, #tpu.memory_space<hbm>>, %arg5: memref<10000xi32, #tpu.memory_space<vmem>>, %arg6: memref<10000xi32, #tpu.memory_space<vmem>>, %arg7: memref<20000xf32, #tpu.memory_space<vmem>>, %arg8: memref<20000xf32, #tpu.memory_space<vmem>>, %arg9: memref<20000xf32, #tpu.memory_space<vmem_shared>>, %arg10: memref<!tpu.dma_semaphore, #tpu.memory_space<semaphore_mem>>, %arg11: memref<!tpu.dma_semaphore, #tpu.memory_space<semaphore_mem>>) attributes {dimension_semantics = [#tpu.dimension_semantics<core_parallel>, #tpu.dimension_semantics<subcore_parallel>], iteration_bounds = array<i64: 2, 16>, scalar_prefetch = 0 : i64, scratch_operands = 7 : i64, tpu.core_type = #tpu.core_type<sc_vector_subcore>, window_params = [{transform_indices = #map}, {transform_indices = #map}, {transform_indices = #map1}]} {
    %mul3A = arith.constant 2 : i32
    %mul3A_0 = arith.muli %arg1, %mul3A : i32
    %add3A = arith.addi %mul3A_0, %arg0 : i32
    %mul3A_1 = arith.constant 10000 : i32
    %mul3A_2 = arith.muli %add3A, %mul3A_1 : i32
    %dma_start3A = tpu.memref_slice %arg2[%mul3A_2] : memref<640000xi32, #tpu.memory_space<hbm>> -> memref<10000xi32, #tpu.memory_space<hbm>>
    %dma_start3A_3 = tpu.memref_slice %arg2[%mul3A_2] : memref<640000xi32, #tpu.memory_space<hbm>> -> memref<10000xi32, #tpu.memory_space<hbm>>
    tpu.enqueue_dma source(%dma_start3A_3 : memref<10000xi32, #tpu.memory_space<hbm>>) target(%arg5 : memref<10000xi32, #tpu.memory_space<vmem>>) target_semaphore(%arg10 : memref<!tpu.dma_semaphore, #tpu.memory_space<semaphore_mem>>)
    %mul3A_4 = arith.constant 10000 : i32
    %mul3A_5 = arith.muli %add3A, %mul3A_4 : i32
    %add3A_6 = arith.constant 320000 : i32
    %add3A_7 = arith.addi %add3A_6, %mul3A_5 : i32
    %dma_start3A_8 = tpu.memref_slice %arg2[%add3A_7] : memref<640000xi32, #tpu.memory_space<hbm>> -> memref<10000xi32, #tpu.memory_space<hbm>>
    %dma_start3A_9 = tpu.memref_slice %arg2[%add3A_7] : memref<640000xi32, #tpu.memory_space<hbm>> -> memref<10000xi32, #tpu.memory_space<hbm>>
    tpu.enqueue_dma source(%dma_start3A_9 : memref<10000xi32, #tpu.memory_space<hbm>>) target(%arg6 : memref<10000xi32, #tpu.memory_space<vmem>>) target_semaphore(%arg11 : memref<!tpu.dma_semaphore, #tpu.memory_space<semaphore_mem>>)
    %eq3A = arith.constant 0 : i32
    %eq3A_10 = arith.cmpi eq, %arg1, %eq3A : i32
    %convert_element_type3A = arith.extui %eq3A_10 : i1 to i32
    %cond3A = arith.constant 0 : i32
    %cond3A_11 = arith.cmpi ne, %convert_element_type3A, %cond3A : i32
    scf.if %cond3A_11 {
      "tpu.region"() ({
        %run_scoped3A = tpu.sem_alloc : memref<!tpu.dma_semaphore, #tpu.memory_space<semaphore_mem>>
        tpu.enqueue_dma source(%arg3 : memref<20000xf32, #tpu.memory_space<hbm>>) target(%arg9 : memref<20000xf32, #tpu.memory_space<vmem_shared>>) target_semaphore(%run_scoped3A : memref<!tpu.dma_semaphore, #tpu.memory_space<semaphore_mem>>)
        tpu.wait_dma2 semaphore(%run_scoped3A : memref<!tpu.dma_semaphore, #tpu.memory_space<semaphore_mem>>) src(%arg3 : memref<20000xf32, #tpu.memory_space<hbm>>) dst(%arg9 : memref<20000xf32, #tpu.memory_space<vmem_shared>>)
        tpu.yield
      }) : () -> ()
    } else {
    }
    %broadcast_in_dim3A = arith.constant 0.000000e+00 : f32
    %broadcast_in_dim3A_12 = vector.broadcast %broadcast_in_dim3A : f32 to vector<16xf32>
    %parallel_loop3A = arith.constant 0 : i32
    %parallel_loop3A_13 = arith.constant 1250 : i32
    %parallel_loop3A_14 = arith.constant 1 : i32
    scf.for %parallel_loop3A_21 = %parallel_loop3A to %parallel_loop3A_13 step %parallel_loop3A_14  : i32 {
      %parallel_loop3A_22 = arith.constant 16 : i32
      %parallel_loop3A_23 = arith.muli %parallel_loop3A_21, %parallel_loop3A_22 : i32
      %parallel_loop3A_24 = arith.index_cast %parallel_loop3A_23 : i32 to index
      %parallel_loop3A_25 = tpu.vector_load %arg8[%parallel_loop3A_24] {strides = array<i32>} : memref<20000xf32, #tpu.memory_space<vmem>>, vector<16xf32>,
      tpu.vector_store %arg8[%parallel_loop3A_24], %broadcast_in_dim3A_12 {strides = array<i32>} : memref<20000xf32, #tpu.memory_space<vmem>>, vector<16xf32>,
    } {sc.loop_unroll_factor = 5 : i64, sc.parallel_access}
    %barrier3A = arith.constant 0 : index
    tpu.barrier barrier_id(%barrier3A)
    "tpu.region"() ({
      %run_scoped3A = tpu.sem_alloc : memref<!tpu.dma_semaphore, #tpu.memory_space<semaphore_mem>>
      tpu.enqueue_dma source(%arg9 : memref<20000xf32, #tpu.memory_space<vmem_shared>>) target(%arg7 : memref<20000xf32, #tpu.memory_space<vmem>>) target_semaphore(%run_scoped3A : memref<!tpu.dma_semaphore, #tpu.memory_space<semaphore_mem>>)
      tpu.wait_dma2 semaphore(%run_scoped3A : memref<!tpu.dma_semaphore, #tpu.memory_space<semaphore_mem>>) src(%arg9 : memref<20000xf32, #tpu.memory_space<vmem_shared>>) dst(%arg7 : memref<20000xf32, #tpu.memory_space<vmem>>)
      tpu.yield
    }) : () -> ()
    %dma_wait3A = tpu.memref_slice %arg2[%mul3A_2] : memref<640000xi32, #tpu.memory_space<hbm>> -> memref<10000xi32, #tpu.memory_space<hbm>>
    %dma_wait3A_15 = tpu.memref_slice %arg2[%mul3A_2] : memref<640000xi32, #tpu.memory_space<hbm>> -> memref<10000xi32, #tpu.memory_space<hbm>>
    tpu.wait_dma2 semaphore(%arg10 : memref<!tpu.dma_semaphore, #tpu.memory_space<semaphore_mem>>) src(%dma_wait3A_15 : memref<10000xi32, #tpu.memory_space<hbm>>) dst(%arg5 : memref<10000xi32, #tpu.memory_space<vmem>>)
    %dma_wait3A_16 = tpu.memref_slice %arg2[%add3A_7] : memref<640000xi32, #tpu.memory_space<hbm>> -> memref<10000xi32, #tpu.memory_space<hbm>>
    %dma_wait3A_17 = tpu.memref_slice %arg2[%add3A_7] : memref<640000xi32, #tpu.memory_space<hbm>> -> memref<10000xi32, #tpu.memory_space<hbm>>
    tpu.wait_dma2 semaphore(%arg11 : memref<!tpu.dma_semaphore, #tpu.memory_space<semaphore_mem>>) src(%dma_wait3A_17 : memref<10000xi32, #tpu.memory_space<hbm>>) dst(%arg6 : memref<10000xi32, #tpu.memory_space<vmem>>)
    %parallel_loop3A_18 = arith.constant 0 : i32
    %parallel_loop3A_19 = arith.constant 625 : i32
    %parallel_loop3A_20 = arith.constant 1 : i32
    scf.for %parallel_loop3A_21 = %parallel_loop3A_18 to %parallel_loop3A_19 step %parallel_loop3A_20  : i32 {
      %parallel_loop3A_22 = arith.constant 16 : i32
      %parallel_loop3A_23 = arith.muli %parallel_loop3A_21, %parallel_loop3A_22 : i32
      %parallel_loop3A_24 = arith.index_cast %parallel_loop3A_23 : i32 to index
      %parallel_loop3A_25 = tpu.vector_load %arg5[%parallel_loop3A_24] {strides = array<i32>} : memref<10000xi32, #tpu.memory_space<vmem>>, vector<16xi32>,
      %parallel_loop3A_26 = arith.index_cast %parallel_loop3A_23 : i32 to index
      %parallel_loop3A_27 = tpu.vector_load %arg6[%parallel_loop3A_26] {strides = array<i32>} : memref<10000xi32, #tpu.memory_space<vmem>>, vector<16xi32>,
      %parallel_loop3A_28 = arith.constant 0 : i32
      %parallel_loop3A_29 = vector.broadcast %parallel_loop3A_28 : i32 to vector<16xi32>
      %parallel_loop3A_30 = arith.addi %parallel_loop3A_25, %parallel_loop3A_29 : vector<16xi32>
      %parallel_loop3A_31 = tpu.vector_load_idx %arg7[%parallel_loop3A_30] : memref<20000xf32, #tpu.memory_space<vmem>>[vector<16xi32>], vector<16xf32>,
      %parallel_loop3A_32 = arith.constant 0 : i32
      %parallel_loop3A_33 = vector.broadcast %parallel_loop3A_32 : i32 to vector<16xi32>
      %parallel_loop3A_34 = arith.addi %parallel_loop3A_27, %parallel_loop3A_33 : vector<16xi32>
      tpu.vector_store_idx %arg8[%parallel_loop3A_34], %parallel_loop3A_31 {add = true} : memref<20000xf32, #tpu.memory_space<vmem>>[vector<16xi32>], vector<16xf32>,
      %parallel_loop3A_35 = arith.constant 10000 : i32
      %parallel_loop3A_36 = vector.broadcast %parallel_loop3A_35 : i32 to vector<16xi32>
      %parallel_loop3A_37 = arith.addi %parallel_loop3A_25, %parallel_loop3A_36 : vector<16xi32>
      %parallel_loop3A_38 = tpu.vector_load_idx %arg7[%parallel_loop3A_37] : memref<20000xf32, #tpu.memory_space<vmem>>[vector<16xi32>], vector<16xf32>,
      %parallel_loop3A_39 = arith.constant 10000 : i32
      %parallel_loop3A_40 = vector.broadcast %parallel_loop3A_39 : i32 to vector<16xi32>
      %parallel_loop3A_41 = arith.addi %parallel_loop3A_27, %parallel_loop3A_40 : vector<16xi32>
      tpu.vector_store_idx %arg8[%parallel_loop3A_41], %parallel_loop3A_38 {add = true} : memref<20000xf32, #tpu.memory_space<vmem>>[vector<16xi32>], vector<16xf32>,
    } {sc.loop_unroll_factor = 5 : i64, sc.parallel_access}
    "tpu.region"() ({
      %run_scoped3A = tpu.sem_alloc : memref<!tpu.dma_semaphore, #tpu.memory_space<semaphore_mem>>
      %dma_start3A_21 = arith.constant 0 : i32
      %dma_start3A_22 = tpu.memref_slice %arg4[%add3A, %dma_start3A_21] : memref<32x20000xf32, #tpu.memory_space<hbm>> -> memref<1x20000xf32, #tpu.memory_space<hbm>>
      %dma_start3A_23 = tpu.memref_squeeze %dma_start3A_22 : memref<1x20000xf32, #tpu.memory_space<hbm>> -> memref<20000xf32, #tpu.memory_space<hbm>>
      %dma_start3A_24 = arith.constant 0 : i32
      %dma_start3A_25 = tpu.memref_slice %arg4[%add3A, %dma_start3A_24] : memref<32x20000xf32, #tpu.memory_space<hbm>> -> memref<1x20000xf32, #tpu.memory_space<hbm>>
      %dma_start3A_26 = tpu.memref_squeeze %dma_start3A_25 : memref<1x20000xf32, #tpu.memory_space<hbm>> -> memref<20000xf32, #tpu.memory_space<hbm>>
      tpu.enqueue_dma source(%arg8 : memref<20000xf32, #tpu.memory_space<vmem>>) target(%dma_start3A_26 : memref<20000xf32, #tpu.memory_space<hbm>>) target_semaphore(%run_scoped3A : memref<!tpu.dma_semaphore, #tpu.memory_space<semaphore_mem>>)
      %dma_wait3A_27 = arith.constant 0 : i32
      %dma_wait3A_28 = tpu.memref_slice %arg4[%add3A, %dma_wait3A_27] : memref<32x20000xf32, #tpu.memory_space<hbm>> -> memref<1x20000xf32, #tpu.memory_space<hbm>>
      %dma_wait3A_29 = tpu.memref_squeeze %dma_wait3A_28 : memref<1x20000xf32, #tpu.memory_space<hbm>> -> memref<20000xf32, #tpu.memory_space<hbm>>
      %dma_wait3A_30 = arith.constant 0 : i32
      %dma_wait3A_31 = tpu.memref_slice %arg4[%add3A, %dma_wait3A_30] : memref<32x20000xf32, #tpu.memory_space<hbm>> -> memref<1x20000xf32, #tpu.memory_space<hbm>>
      %dma_wait3A_32 = tpu.memref_squeeze %dma_wait3A_31 : memref<1x20000xf32, #tpu.memory_space<hbm>> -> memref<20000xf32, #tpu.memory_space<hbm>>
      tpu.wait_dma2 semaphore(%run_scoped3A : memref<!tpu.dma_semaphore, #tpu.memory_space<semaphore_mem>>) src(%arg8 : memref<20000xf32, #tpu.memory_space<vmem>>) dst(%dma_wait3A_32 : memref<20000xf32, #tpu.memory_space<hbm>>)
      tpu.yield
    }) : () -> ()
    return
  }
}

module attributes {stable_mosaic.version = 14 : i64} {
  func.func @_tch_body(%arg0: memref<10000x128xf32, #tpu.memory_space<vmem>>, %arg1: memref<128x4xf32, #tpu.memory_space<vmem>>, %arg2: memref<4xf32, #tpu.memory_space<vmem>>, %arg3: memref<4x10000xf32, #tpu.memory_space<vmem>>) attributes {dimension_semantics = [], scalar_prefetch = 0 : i64, scratch_operands = 0 : i64, tpu.core_type = #tpu.core_type<tc>} {
    %get3A = arith.constant 0 : index
    %get3A_0 = arith.constant 0 : index
    %get3A_1 = vector.load %arg1[%get3A, %get3A_0] : memref<128x4xf32, #tpu.memory_space<vmem>>, vector<128x4xf32>
    %get3A_2 = arith.constant 0 : index
    %get3A_3 = arith.constant 0 : index
    %get3A_4 = vector.load %arg0[%get3A_2, %get3A_3] : memref<10000x128xf32, #tpu.memory_space<vmem>>, vector<10000x128xf32>
    %dot_general3A = arith.constant dense<0.000000e+00> : vector<4x10000xf32>
    %dot_general3A_5 = tpu.matmul %get3A_1, %get3A_4, %dot_general3A {dimension_numbers = #tpu.dot_dimension_numbers<[0], [1], [1], [0], [0, 1, 1, 0], [], []>, transpose_lhs_hint = false} : vector<128x4xf32>, vector<10000x128xf32>, vector<4x10000xf32> -> vector<4x10000xf32>
    %get3A_6 = arith.constant 0 : index
    %get3A_7 = vector.load %arg2[%get3A_6] : memref<4xf32, #tpu.memory_space<vmem>>, vector<4xf32>
    %broadcast_in_dim3A = vector.shape_cast %get3A_7 : vector<4xf32> to vector<4x1xf32>
    %add3A = vector.broadcast %broadcast_in_dim3A : vector<4x1xf32> to vector<4x10000xf32>
    %add3A_8 = arith.addf %dot_general3A_5, %add3A : vector<4x10000xf32>
    %swap3A = arith.constant 0 : index
    %swap3A_9 = arith.constant 0 : index
    %swap3A_10 = vector.load %arg3[%swap3A, %swap3A_9] : memref<4x10000xf32, #tpu.memory_space<vmem>>, vector<4x10000xf32>
    tpu.vector_store %arg3[%swap3A, %swap3A_9], %add3A_8 {strides = array<i32>} : memref<4x10000xf32, #tpu.memory_space<vmem>>, vector<4x10000xf32>,
    return
  }
}

module attributes {stable_mosaic.version = 14 : i64} {
  func.func @_tcs_body(%arg0: memref<32x10000xf32, #tpu.memory_space<vmem>>, %arg1: memref<4x10000xf32, #tpu.memory_space<vmem>>, %arg2: memref<4x10000xf32, #tpu.memory_space<vmem>>, %arg3: memref<10000xf32, #tpu.memory_space<vmem>>, %arg4: memref<10000xf32, #tpu.memory_space<vmem>>) attributes {dimension_semantics = [], scalar_prefetch = 0 : i64, scratch_operands = 0 : i64, tpu.core_type = #tpu.core_type<tc>} {
    %get3A = arith.constant 0 : index
    %get3A_0 = arith.constant 0 : index
    %get3A_1 = vector.load %arg0[%get3A, %get3A_0] : memref<32x10000xf32, #tpu.memory_space<vmem>>, vector<32x10000xf32>
    %reduce_sum3A = arith.constant dense<0.000000e+00> : vector<10000xf32>
    %reduce_sum3A_2 = vector.multi_reduction <add>, %get3A_1, %reduce_sum3A [0] : vector<32x10000xf32> to vector<10000xf32>
    %add3A = arith.constant 1.000000e+00 : f32
    %add3A_3 = vector.broadcast %add3A : f32 to vector<10000xf32>
    %add3A_4 = arith.addf %reduce_sum3A_2, %add3A_3 : vector<10000xf32>
    %rsqrt3A = math.rsqrt %add3A_4 : vector<10000xf32>
    %get3A_5 = arith.constant 0 : index
    %get3A_6 = arith.constant 0 : index
    %get3A_7 = vector.load %arg1[%get3A_5, %get3A_6] : memref<4x10000xf32, #tpu.memory_space<vmem>>, vector<4x10000xf32>
    %broadcast_in_dim3A = vector.shape_cast %rsqrt3A : vector<10000xf32> to vector<1x10000xf32>
    %mul3A = vector.broadcast %broadcast_in_dim3A : vector<1x10000xf32> to vector<4x10000xf32>
    %mul3A_8 = arith.mulf %get3A_7, %mul3A : vector<4x10000xf32>
    %swap3A = arith.constant 0 : index
    %swap3A_9 = arith.constant 0 : index
    %swap3A_10 = vector.load %arg2[%swap3A, %swap3A_9] : memref<4x10000xf32, #tpu.memory_space<vmem>>, vector<4x10000xf32>
    tpu.vector_store %arg2[%swap3A, %swap3A_9], %mul3A_8 {strides = array<i32>} : memref<4x10000xf32, #tpu.memory_space<vmem>>, vector<4x10000xf32>,
    %swap3A_11 = arith.constant 0 : index
    %swap3A_12 = vector.load %arg3[%swap3A_11] : memref<10000xf32, #tpu.memory_space<vmem>>, vector<10000xf32>
    tpu.vector_store %arg3[%swap3A_11], %rsqrt3A {strides = array<i32>} : memref<10000xf32, #tpu.memory_space<vmem>>, vector<10000xf32>,
    %div3A = arith.divf %rsqrt3A, %add3A_4 : vector<10000xf32>
    %swap3A_13 = arith.constant 0 : index
    %swap3A_14 = vector.load %arg4[%swap3A_13] : memref<10000xf32, #tpu.memory_space<vmem>>, vector<10000xf32>
    tpu.vector_store %arg4[%swap3A_13], %div3A {strides = array<i32>} : memref<10000xf32, #tpu.memory_space<vmem>>, vector<10000xf32>,
    return
  }
}

module attributes {stable_mosaic.version = 14 : i64} {
  func.func @_tcmid_body(%arg0: memref<32x40000xf32, #tpu.memory_space<vmem>>, %arg1: memref<4x10000xf32, #tpu.memory_space<vmem>>, %arg2: memref<10000xf32, #tpu.memory_space<vmem>>, %arg3: memref<10000xf32, #tpu.memory_space<vmem>>, %arg4: memref<4x4xf32, #tpu.memory_space<vmem>>, %arg5: memref<4xf32, #tpu.memory_space<vmem>>, %arg6: memref<4x10000xf32, #tpu.memory_space<vmem>>) attributes {dimension_semantics = [], scalar_prefetch = 0 : i64, scratch_operands = 0 : i64, tpu.core_type = #tpu.core_type<tc>} {
    %get3A = arith.constant 0 : index
    %get3A_0 = arith.constant 0 : index
    %get3A_1 = vector.load %arg0[%get3A, %get3A_0] : memref<32x40000xf32, #tpu.memory_space<vmem>>, vector<32x40000xf32>
    %reduce_sum3A = arith.constant dense<0.000000e+00> : vector<40000xf32>
    %reduce_sum3A_2 = vector.multi_reduction <add>, %get3A_1, %reduce_sum3A [0] : vector<32x40000xf32> to vector<40000xf32>
    %slice3A = vector.extract_strided_slice %reduce_sum3A_2 {offsets = [0], sizes = [10000], strides = [1]} : vector<40000xf32> to vector<10000xf32>
    %slice3A_3 = vector.extract_strided_slice %reduce_sum3A_2 {offsets = [10000], sizes = [10000], strides = [1]} : vector<40000xf32> to vector<10000xf32>
    %slice3A_4 = vector.extract_strided_slice %reduce_sum3A_2 {offsets = [20000], sizes = [10000], strides = [1]} : vector<40000xf32> to vector<10000xf32>
    %slice3A_5 = vector.extract_strided_slice %reduce_sum3A_2 {offsets = [30000], sizes = [10000], strides = [1]} : vector<40000xf32> to vector<10000xf32>
    %stack3A = vector.shape_cast %slice3A : vector<10000xf32> to vector<1x10000xf32>
    %stack3A_6 = vector.shape_cast %slice3A_3 : vector<10000xf32> to vector<1x10000xf32>
    %stack3A_7 = vector.shape_cast %slice3A_4 : vector<10000xf32> to vector<1x10000xf32>
    %stack3A_8 = vector.shape_cast %slice3A_5 : vector<10000xf32> to vector<1x10000xf32>
    %stack3A_9 = tpu.concatenate %stack3A, %stack3A_6, %stack3A_7, %stack3A_8 in 0 : vector<1x10000xf32>, vector<1x10000xf32>, vector<1x10000xf32>, vector<1x10000xf32> -> vector<4x10000xf32>
    %get3A_10 = arith.constant 0 : index
    %get3A_11 = arith.constant 0 : index
    %get3A_12 = vector.load %arg1[%get3A_10, %get3A_11] : memref<4x10000xf32, #tpu.memory_space<vmem>>, vector<4x10000xf32>
    %add3A = arith.addf %stack3A_9, %get3A_12 : vector<4x10000xf32>
    %get3A_13 = arith.constant 0 : index
    %get3A_14 = vector.load %arg2[%get3A_13] : memref<10000xf32, #tpu.memory_space<vmem>>, vector<10000xf32>
    %broadcast_in_dim3A = vector.shape_cast %get3A_14 : vector<10000xf32> to vector<1x10000xf32>
    %mul3A = vector.broadcast %broadcast_in_dim3A : vector<1x10000xf32> to vector<4x10000xf32>
    %mul3A_15 = arith.mulf %add3A, %mul3A : vector<4x10000xf32>
    %tanh3A = math.tanh %mul3A_15 : vector<4x10000xf32>
    %get3A_16 = arith.constant 0 : index
    %get3A_17 = arith.constant 0 : index
    %get3A_18 = vector.load %arg4[%get3A_16, %get3A_17] : memref<4x4xf32, #tpu.memory_space<vmem>>, vector<4x4xf32>
    %dot_general3A = arith.constant dense<0.000000e+00> : vector<4x10000xf32>
    %dot_general3A_19 = tpu.matmul %get3A_18, %tanh3A, %dot_general3A {dimension_numbers = #tpu.dot_dimension_numbers<[0], [0], [1], [1], [0, 1, 1, 1], [], []>, transpose_lhs_hint = false} : vector<4x4xf32>, vector<4x10000xf32>, vector<4x10000xf32> -> vector<4x10000xf32>
    %get3A_20 = arith.constant 0 : index
    %get3A_21 = vector.load %arg5[%get3A_20] : memref<4xf32, #tpu.memory_space<vmem>>, vector<4xf32>
    %broadcast_in_dim3A_22 = vector.shape_cast %get3A_21 : vector<4xf32> to vector<4x1xf32>
    %add3A_23 = vector.broadcast %broadcast_in_dim3A_22 : vector<4x1xf32> to vector<4x10000xf32>
    %add3A_24 = arith.addf %dot_general3A_19, %add3A_23 : vector<4x10000xf32>
    %get3A_25 = arith.constant 0 : index
    %get3A_26 = vector.load %arg3[%get3A_25] : memref<10000xf32, #tpu.memory_space<vmem>>, vector<10000xf32>
    %broadcast_in_dim3A_27 = vector.shape_cast %get3A_26 : vector<10000xf32> to vector<1x10000xf32>
    %mul3A_28 = vector.broadcast %broadcast_in_dim3A_27 : vector<1x10000xf32> to vector<4x10000xf32>
    %mul3A_29 = arith.mulf %add3A_24, %mul3A_28 : vector<4x10000xf32>
    %swap3A = arith.constant 0 : index
    %swap3A_30 = arith.constant 0 : index
    %swap3A_31 = vector.load %arg6[%swap3A, %swap3A_30] : memref<4x10000xf32, #tpu.memory_space<vmem>>, vector<4x10000xf32>
    tpu.vector_store %arg6[%swap3A, %swap3A_30], %mul3A_29 {strides = array<i32>} : memref<4x10000xf32, #tpu.memory_space<vmem>>, vector<4x10000xf32>,
    return
  }
}

module attributes {stable_mosaic.version = 14 : i64} {
  func.func @_tcmid_body(%arg0: memref<32x40000xf32, #tpu.memory_space<vmem>>, %arg1: memref<4x10000xf32, #tpu.memory_space<vmem>>, %arg2: memref<10000xf32, #tpu.memory_space<vmem>>, %arg3: memref<10000xf32, #tpu.memory_space<vmem>>, %arg4: memref<4x2xf32, #tpu.memory_space<vmem>>, %arg5: memref<2xf32, #tpu.memory_space<vmem>>, %arg6: memref<2x10000xf32, #tpu.memory_space<vmem>>) attributes {dimension_semantics = [], scalar_prefetch = 0 : i64, scratch_operands = 0 : i64, tpu.core_type = #tpu.core_type<tc>} {
    %get3A = arith.constant 0 : index
    %get3A_0 = arith.constant 0 : index
    %get3A_1 = vector.load %arg0[%get3A, %get3A_0] : memref<32x40000xf32, #tpu.memory_space<vmem>>, vector<32x40000xf32>
    %reduce_sum3A = arith.constant dense<0.000000e+00> : vector<40000xf32>
    %reduce_sum3A_2 = vector.multi_reduction <add>, %get3A_1, %reduce_sum3A [0] : vector<32x40000xf32> to vector<40000xf32>
    %slice3A = vector.extract_strided_slice %reduce_sum3A_2 {offsets = [0], sizes = [10000], strides = [1]} : vector<40000xf32> to vector<10000xf32>
    %slice3A_3 = vector.extract_strided_slice %reduce_sum3A_2 {offsets = [10000], sizes = [10000], strides = [1]} : vector<40000xf32> to vector<10000xf32>
    %slice3A_4 = vector.extract_strided_slice %reduce_sum3A_2 {offsets = [20000], sizes = [10000], strides = [1]} : vector<40000xf32> to vector<10000xf32>
    %slice3A_5 = vector.extract_strided_slice %reduce_sum3A_2 {offsets = [30000], sizes = [10000], strides = [1]} : vector<40000xf32> to vector<10000xf32>
    %stack3A = vector.shape_cast %slice3A : vector<10000xf32> to vector<1x10000xf32>
    %stack3A_6 = vector.shape_cast %slice3A_3 : vector<10000xf32> to vector<1x10000xf32>
    %stack3A_7 = vector.shape_cast %slice3A_4 : vector<10000xf32> to vector<1x10000xf32>
    %stack3A_8 = vector.shape_cast %slice3A_5 : vector<10000xf32> to vector<1x10000xf32>
    %stack3A_9 = tpu.concatenate %stack3A, %stack3A_6, %stack3A_7, %stack3A_8 in 0 : vector<1x10000xf32>, vector<1x10000xf32>, vector<1x10000xf32>, vector<1x10000xf32> -> vector<4x10000xf32>
    %get3A_10 = arith.constant 0 : index
    %get3A_11 = arith.constant 0 : index
    %get3A_12 = vector.load %arg1[%get3A_10, %get3A_11] : memref<4x10000xf32, #tpu.memory_space<vmem>>, vector<4x10000xf32>
    %add3A = arith.addf %stack3A_9, %get3A_12 : vector<4x10000xf32>
    %get3A_13 = arith.constant 0 : index
    %get3A_14 = vector.load %arg2[%get3A_13] : memref<10000xf32, #tpu.memory_space<vmem>>, vector<10000xf32>
    %broadcast_in_dim3A = vector.shape_cast %get3A_14 : vector<10000xf32> to vector<1x10000xf32>
    %mul3A = vector.broadcast %broadcast_in_dim3A : vector<1x10000xf32> to vector<4x10000xf32>
    %mul3A_15 = arith.mulf %add3A, %mul3A : vector<4x10000xf32>
    %tanh3A = math.tanh %mul3A_15 : vector<4x10000xf32>
    %get3A_16 = arith.constant 0 : index
    %get3A_17 = arith.constant 0 : index
    %get3A_18 = vector.load %arg4[%get3A_16, %get3A_17] : memref<4x2xf32, #tpu.memory_space<vmem>>, vector<4x2xf32>
    %dot_general3A = arith.constant dense<0.000000e+00> : vector<2x10000xf32>
    %dot_general3A_19 = tpu.matmul %get3A_18, %tanh3A, %dot_general3A {dimension_numbers = #tpu.dot_dimension_numbers<[0], [0], [1], [1], [0, 1, 1, 1], [], []>, transpose_lhs_hint = false} : vector<4x2xf32>, vector<4x10000xf32>, vector<2x10000xf32> -> vector<2x10000xf32>
    %get3A_20 = arith.constant 0 : index
    %get3A_21 = vector.load %arg5[%get3A_20] : memref<2xf32, #tpu.memory_space<vmem>>, vector<2xf32>
    %broadcast_in_dim3A_22 = vector.shape_cast %get3A_21 : vector<2xf32> to vector<2x1xf32>
    %add3A_23 = vector.broadcast %broadcast_in_dim3A_22 : vector<2x1xf32> to vector<2x10000xf32>
    %add3A_24 = arith.addf %dot_general3A_19, %add3A_23 : vector<2x10000xf32>
    %get3A_25 = arith.constant 0 : index
    %get3A_26 = vector.load %arg3[%get3A_25] : memref<10000xf32, #tpu.memory_space<vmem>>, vector<10000xf32>
    %broadcast_in_dim3A_27 = vector.shape_cast %get3A_26 : vector<10000xf32> to vector<1x10000xf32>
    %mul3A_28 = vector.broadcast %broadcast_in_dim3A_27 : vector<1x10000xf32> to vector<2x10000xf32>
    %mul3A_29 = arith.mulf %add3A_24, %mul3A_28 : vector<2x10000xf32>
    %swap3A = arith.constant 0 : index
    %swap3A_30 = arith.constant 0 : index
    %swap3A_31 = vector.load %arg6[%swap3A, %swap3A_30] : memref<2x10000xf32, #tpu.memory_space<vmem>>, vector<2x10000xf32>
    tpu.vector_store %arg6[%swap3A, %swap3A_30], %mul3A_29 {strides = array<i32>} : memref<2x10000xf32, #tpu.memory_space<vmem>>, vector<2x10000xf32>,
    return
  }
}

module attributes {stable_mosaic.version = 14 : i64} {
  func.func @_tc3_body(%arg0: memref<32x20000xf32, #tpu.memory_space<vmem>>, %arg1: memref<2x10000xf32, #tpu.memory_space<vmem>>, %arg2: memref<10000xf32, #tpu.memory_space<vmem>>, %arg3: memref<2x10xf32, #tpu.memory_space<vmem>>, %arg4: memref<10xf32, #tpu.memory_space<vmem>>, %arg5: memref<10000x10xf32, #tpu.memory_space<vmem>>) attributes {dimension_semantics = [], scalar_prefetch = 0 : i64, scratch_operands = 0 : i64, tpu.core_type = #tpu.core_type<tc>} {
    %get3A = arith.constant 0 : index
    %get3A_0 = arith.constant 0 : index
    %get3A_1 = vector.load %arg0[%get3A, %get3A_0] : memref<32x20000xf32, #tpu.memory_space<vmem>>, vector<32x20000xf32>
    %reduce_sum3A = arith.constant dense<0.000000e+00> : vector<20000xf32>
    %reduce_sum3A_2 = vector.multi_reduction <add>, %get3A_1, %reduce_sum3A [0] : vector<32x20000xf32> to vector<20000xf32>
    %slice3A = vector.extract_strided_slice %reduce_sum3A_2 {offsets = [0], sizes = [10000], strides = [1]} : vector<20000xf32> to vector<10000xf32>
    %slice3A_3 = vector.extract_strided_slice %reduce_sum3A_2 {offsets = [10000], sizes = [10000], strides = [1]} : vector<20000xf32> to vector<10000xf32>
    %stack3A = vector.shape_cast %slice3A : vector<10000xf32> to vector<1x10000xf32>
    %stack3A_4 = vector.shape_cast %slice3A_3 : vector<10000xf32> to vector<1x10000xf32>
    %stack3A_5 = tpu.concatenate %stack3A, %stack3A_4 in 0 : vector<1x10000xf32>, vector<1x10000xf32> -> vector<2x10000xf32>
    %get3A_6 = arith.constant 0 : index
    %get3A_7 = arith.constant 0 : index
    %get3A_8 = vector.load %arg1[%get3A_6, %get3A_7] : memref<2x10000xf32, #tpu.memory_space<vmem>>, vector<2x10000xf32>
    %add3A = arith.addf %stack3A_5, %get3A_8 : vector<2x10000xf32>
    %get3A_9 = arith.constant 0 : index
    %get3A_10 = vector.load %arg2[%get3A_9] : memref<10000xf32, #tpu.memory_space<vmem>>, vector<10000xf32>
    %broadcast_in_dim3A = vector.shape_cast %get3A_10 : vector<10000xf32> to vector<1x10000xf32>
    %mul3A = vector.broadcast %broadcast_in_dim3A : vector<1x10000xf32> to vector<2x10000xf32>
    %mul3A_11 = arith.mulf %add3A, %mul3A : vector<2x10000xf32>
    %tanh3A = math.tanh %mul3A_11 : vector<2x10000xf32>
    %get3A_12 = arith.constant 0 : index
    %get3A_13 = arith.constant 0 : index
    %get3A_14 = vector.load %arg3[%get3A_12, %get3A_13] : memref<2x10xf32, #tpu.memory_space<vmem>>, vector<2x10xf32>
    %dot_general3A = arith.constant dense<0.000000e+00> : vector<10000x10xf32>
    %dot_general3A_15 = tpu.matmul %tanh3A, %get3A_14, %dot_general3A {dimension_numbers = #tpu.dot_dimension_numbers<[0], [0], [1], [1], [0, 1, 1, 1], [], []>, transpose_lhs_hint = false} : vector<2x10000xf32>, vector<2x10xf32>, vector<10000x10xf32> -> vector<10000x10xf32>
    %get3A_16 = arith.constant 0 : index
    %get3A_17 = vector.load %arg4[%get3A_16] : memref<10xf32, #tpu.memory_space<vmem>>, vector<10xf32>
    %broadcast_in_dim3A_18 = vector.shape_cast %get3A_17 : vector<10xf32> to vector<1x10xf32>
    %add3A_19 = vector.broadcast %broadcast_in_dim3A_18 : vector<1x10xf32> to vector<10000x10xf32>
    %add3A_20 = arith.addf %dot_general3A_15, %add3A_19 : vector<10000x10xf32>
    %swap3A = arith.constant 0 : index
    %swap3A_21 = arith.constant 0 : index
    %swap3A_22 = vector.load %arg5[%swap3A, %swap3A_21] : memref<10000x10xf32, #tpu.memory_space<vmem>>, vector<10000x10xf32>
    tpu.vector_store %arg5[%swap3A, %swap3A_21], %add3A_20 {strides = array<i32>} : memref<10000x10xf32, #tpu.memory_space<vmem>>, vector<10000x10xf32>,
    return
  }
}

</mosaic_0001>

<sc_bundles>
// kernel: kernel.11.cloned.1.call-start
scs
__scs_entry_jumppad:
0x0: {  	(pc) =	sbr.rel $0x88, $3  }
0x1: {  	(tag) =	ssettag $0x0;
	lr =	simm.s32 $0x1  }
0x2: {  	[smem:$0x3F97] =	sst lr;
	_ =	strace $0xD0000000  }
0x3: {  	_ = 	snop  }
0x4: {  	_ = 	snop  }
0x5: {  	_ = 	snop  }
0x6: {  	_ = 	snop  }
0x7: {  	_ = 	snop  }
__scs_overlays_trampoline_lowered:
0x8: {  	[smem:$0x3FA6] =	sst s0  }
0x9: {  	[smem:$0x3FA7] =	sst s1  }
0xa: {  	[smem:$0x3FA8] =	sst s2  }
0xb: {  	[smem:$0x3FA9] =	sst s3  }
0xc: {  	[smem:$0x3FAA] =	sst s4  }
0xd: {  	[smem:$0x3FAB] =	sst s5  }
0xe: {  	[smem:$0x3FAC] =	sst s6  }
0xf: {  	[smem:$0x3FAD] =	sst s7  }
0x10: {  	[smem:$0x3FAE] =	sst s8  }
0x11: {  	[smem:$0x3FAF] =	sst s9;
	s0 =	simm.s32 @!p0 $0x0  }
0x12: {  	s1 =	sld [smem:$0x3F95];
	s0 =	simm.s32 @p0 $0x1  }
0x13: {  	[smem:$0x3FB0] =	sst s0;
	s0 =	simm.s32 @!p1 $0x0  }
0x14: {  	s2 =	sld [smem:$0x3F94];
	s0 =	simm.s32 @p1 $0x1  }
0x15: {  	[smem:$0x3FB1] =	sst s0;
	s0 =	simm.s32 @!p2 $0x0  }
0x16: {  	s3 =	sld [smem:$0x3FDB];
	s0 =	simm.s32 @p2 $0x1  }
0x17: {  	s4 =	simm.s32 $0x1BF5;
	[smem:$0x3FB3] =	sst s0  }
0x18: {  	s0 =	sld [smem:$0x3F96];
	_ =	swait.ge [sflag:s4], $0x0  }
0x19: {  	s7 =	sld [smem:$0x3F97]  }
0x1a: {  	s8 =	sadd.s32 $0xFFFFE003, lr  }
0x1b: {  	s9 =	sadd.s32 $0xFFFFFEF7, lr;
	s5 =	simm.s32 $0xFFFFFFFF;
	p2 =	slt.u32 s8, $0xFFFFF086  }
0x1c: {  	p1 =	slt.u32 s9, $0xF7A;
	s5 =	simm.s32 @!p2 $0x0  }
0x1d: {  	s5 =	simm.s32 @p1 $0x1;
	p0 =	seq.s32 s7, s2  }
0x1e: {  	s7 =	smul.u32 @!p0 $0xF7A, s2;
	p2 =	seq.s32 @!p0 s5, $0x0  }
0x1f: {  	s9 =	smul.u32 $0xF7A, s1;
	s8 =	simm.s32 @!p0 $0x1BF5;
	p2 =	por !p2, p0  }
0x20: {  	[sflag:s8] =	ssyncset.s32 @!p0 $0xFFFFF086;
	s6 =	sadd.s32 @!p0 s3, s7;
	s7 =	simm.s32 @!p0 $0x108  }
0x21: {  	s3 =	sadd.s32 s3, s9;
	s6 =	sadd.s32 @!p0 $0x88, s6;
	s7 =	simm.s32 @p2 $0x1082  }
0x22: {  	[simem:s7], [sflag:s8] =	dma.local @!p0 [hbm:s6], $0xF7A  }
0x23: {  	s9 =	sor.u32 $0xD0000000, s2;
	s6 =	simm.s32 $0x108;
	_ =	swait.ge @!p0 [sflag:s8], $0x0  }
0x24: {  	s3 =	sadd.s32 $0x88, s3;
	s6 =	simm.s32 @!p1 $0x1082;
	[sflag:s4] =	ssyncset.s32 $0xFFFFF086  }
0x25: {  	[simem:s6], [sflag:s4] =	dma.local [hbm:s3], $0xF7A  }
0x26: {  	[smem:$0x3F97] =	sst s1;
	(tag) =	ssettag s2;
	_ =	strace s9  }
0x27: {  	s1 =	sld [smem:$0x3FA7]  }
0x28: {  	s2 =	sld [smem:$0x3FA8]  }
0x29: {  	s4 =	sld [smem:$0x3FAA]  }
0x2a: {  	p0 =	seq.s32 s5, $0x0;
	s5 =	sld [smem:$0x3FAB]  }
0x2b: {  	s6 =	sld [smem:$0x3FAC]  }
0x2c: {  	s7 =	sld [smem:$0x3FAD]  }
0x2d: {  	s3 =	simm.s32 $0x108;
	s8 =	sld [smem:$0x3FAE]  }
0x2e: {  	s3 =	simm.s32 @!p0 $0x1082;
	s9 =	sld [smem:$0x3FAF]  }
0x2f: {  	lr =	sadd.s32 s0, s3;
	s0 =	sld [smem:$0x3FA6]  }
0x30: {  	s3 =	sld [smem:$0x3FA9]  }
0x31: {  	[smem:$0x3FB2] =	sst s10  }
0x32: {  	s10 =	sld [smem:$0x3FB0];
	_ =	sdelay $0x3  }
0x33: {  	p0 =	seq.s32 s10, $0x1;
	s10 =	sld [smem:$0x3FB2];
	_ =	sdelay $0x3  }
0x34: {  	[smem:$0x3FB2] =	sst s10  }
0x35: {  	s10 =	sld [smem:$0x3FB1];
	_ =	sdelay $0x3  }
0x36: {  	p1 =	seq.s32 s10, $0x1;
	s10 =	sld [smem:$0x3FB2];
	_ =	sdelay $0x3  }
0x37: {  	[smem:$0x3FB2] =	sst s10  }
0x38: {  	s10 =	sld [smem:$0x3FB3]  }
0x39: {  	_ = 	snop;
	(pc) =	sbr.ind lr, $3  }
0x3a: {  	_ = 	snop  }
0x3b: {  	_ = 	snop  }
0x3c: {  	p2 =	seq.s32 s10, $0x1;
	s10 =	sld [smem:$0x3FB2]  }
0x3d: {  	_ =	shalt  }
0x3e: {  	_ =	shalt  }
0x3f: {  	_ =	shalt  }
0x40: {  	_ =	shalt  }
0x41: {  	_ =	shalt  }
0x42: {  	_ =	shalt  }
0x43: {  	_ =	shalt  }
0x44: {  	_ =	shalt  }
0x45: {  	_ =	shalt  }
0x46: {  	_ =	shalt  }
0x47: {  	_ =	shalt  }
0x48: {  	_ =	shalt  }
0x49: {  	_ =	shalt  }
0x4a: {  	_ =	shalt  }
0x4b: {  	_ =	shalt  }
0x4c: {  	_ =	shalt  }
0x4d: {  	_ =	shalt  }
0x4e: {  	_ =	shalt  }
0x4f: {  	_ =	shalt  }
0x50: {  	_ =	shalt  }
0x51: {  	_ =	shalt  }
0x52: {  	_ =	shalt  }
0x53: {  	_ =	shalt  }
0x54: {  	_ =	shalt  }
0x55: {  	_ =	shalt  }
0x56: {  	_ =	shalt  }
0x57: {  	_ =	shalt  }
0x58: {  	_ =	shalt  }
0x59: {  	_ =	shalt  }
0x5a: {  	_ =	shalt  }
0x5b: {  	_ =	shalt  }
0x5c: {  	_ =	shalt  }
0x5d: {  	_ =	shalt  }
0x5e: {  	_ =	shalt  }
0x5f: {  	_ =	shalt  }
0x60: {  	_ =	shalt  }
0x61: {  	_ =	shalt  }
0x62: {  	_ =	shalt  }
0x63: {  	_ =	shalt  }
0x64: {  	_ =	shalt  }
0x65: {  	_ =	shalt  }
0x66: {  	_ =	shalt  }
0x67: {  	_ =	shalt  }
0x68: {  	_ =	shalt  }
0x69: {  	_ =	shalt  }
0x6a: {  	_ =	shalt  }
0x6b: {  	_ =	shalt  }
0x6c: {  	_ =	shalt  }
0x6d: {  	_ =	shalt  }
0x6e: {  	_ =	shalt  }
0x6f: {  	_ =	shalt  }
0x70: {  	_ =	shalt  }
0x71: {  	_ =	shalt  }
0x72: {  	_ =	shalt  }
0x73: {  	_ =	shalt  }
0x74: {  	_ =	shalt  }
0x75: {  	_ =	shalt  }
0x76: {  	_ =	shalt  }
0x77: {  	_ =	shalt  }
0x78: {  	_ =	shalt  }
0x79: {  	_ =	shalt  }
0x7a: {  	_ =	shalt  }
0x7b: {  	_ =	shalt  }
0x7c: {  	_ =	shalt  }
0x7d: {  	_ =	shalt  }
0x7e: {  	_ =	shalt  }
0x7f: {  	_ =	shalt  }
0x80: {  	_ =	shalt  }
0x81: {  	_ =	shalt  }
0x82: {  	_ =	shalt  }
0x83: {  	_ =	shalt  }
0x84: {  	_ =	shalt  }
0x85: {  	_ =	shalt  }
0x86: {  	_ =	shalt  }
0x87: {  	_ =	shalt  }
.Lfunc_end0:
.L_simem_size_0:
called_computation_lowered:
.L_overlay_start_0:
0x88: {  	s2 =	sld [smem:$0x3FD9]  }
0x89: {  	s3 =	sld [smem:$0x3FFE];
	_ =	sdelay $0x1  }
0x8a: {  	s1 =	srdreg.scid  }
0x8b: {  	s0 =	sand.u32 $0x1, s1  }
0x8c: {  	s16 =	sshll.u32 s0, $0xA;
	s2 =	sadd.s32 s3, s2  }
0x8d: {  	s2 =	sadd.s32 s2, s16  }
0x8e: {  	[smem:$0x3FBE] =	sst s2  }
0x8f: {  	_ = 	snop  }
0x90: {  	(tm) =	ssettm $0x1  }
0x91: {  	s17 =	sld [smem:$0x3FFB];
	_ =	sdelay $0x3  }
0x92: {  	_ =	strace s17  }
0x93: {  	s2 =	sld [smem:$0x3FFC];
	_ =	sdelay $0x3  }
0x94: {  	_ =	strace s2  }
0x95: {  	s2 =	sld [smem:$0x3FFD];
	_ =	sdelay $0x3  }
0x96: {  	_ =	strace s2  }
0x97: {  	_ =	strace $0x8FFFFFFF  }
0x98: {  	s18 =	sld [smem:$0x3FDB];
	_ =	sdelay $0x1  }
0x99: {  	s19 =	simm.s32 $_scs_section_size  }
0x9a: {  	s4 =	simm.s32 $_size__tile_overlayer_lowered;
	s5 =	simm.s32 $_tile_overlayer_lowered  }
0x9b: {  	s22 =	simm.s32 $0x1BFF;
	s21 =	sshll.u32 s5, $0x1;
	s2 =	sadd.s32 s19, s18  }
0x9c: {  	s6 =	simm.s32 $0x0;
	s20 =	sshll.u32 s4, $0x1;
	s4 =	sadd.s32 s21, s2  }
0x9d: {  	[timem:s6], [sflag:s22] =	dma.local [hbm:s4], s20  }
0x9e: {  	_ =	swait.ge [sflag:s22], s20  }
0x9f: {  	s3 =	ssub.s32 $0x0, s20;
	[sflag:s22] =	ssyncset.done $0x0  }
0xa0: {  	[sflag:s22] =	ssyncadd.s32 s3;
	_ =	sdelay $0x1  }
0xa1: {  	s23 =	simm.s32 $0x1B8B  }
0xa2: {  	_ =	swait.ge [sflag:s23], $0x1  }
0xa3: {  	[sflag:s23] =	ssyncset.done $0x0  }
0xa4: {  	s25 =	simm.s32 $0x1B8E;
	s24 =	sld [smem:$0x3FFE];
	[sflag:s23] =	ssyncadd.s32 $0xFFFFFFFF  }
0xa5: {  	s26 =	simm.s32 $execute0_lowered;
	[smem:$0x3FD2] =	sst s25  }
0xa6: {  	s4 =	sshll.u32 s26, $0x1;
	_ =	strace $0x80000046;
	[dreg:$0x1] =	wrdreg $0xFFFFFFFF  }
0xa7: {  	s28 =	simm.s32 $_size_execute0_lowered;
	s2 =	sadd.s32 s2, s4;
	[dreg:$0x0] =	wrdreg $0x0  }
0xa8: {  	s4 =	sshll.u32 s28, $0x1;
	[dreg:$0x2] =	wrdreg s2  }
0xa9: {  	[dreg:$0x3] =	wrdreg s4  }
0xaa: {  	[dreg:$0x4] =	wrdreg $0xC0  }
0xab: {  	_ =	task [dreg:s6], $0x5FFFF  }
0xac: {  	[dreg:$0x1] =	wrdreg $0xFFFFFFFF  }
0xad: {  	[dreg:$0x0] =	wrdreg $0x60  }
0xae: {  	[dreg:$0x2] =	wrdreg s24  }
0xaf: {  	[dreg:$0x3] =	wrdreg $0x9  }
0xb0: {  	_ =	task.clear_ibuf [dreg:s6], $0x4FFFF;
	_ =	strace $0x90000046  }
0xb1: {  	s29 =	simm.s32 $0x9;
	_ =	strace $0x80000048  }
0xb2: {  	_ =	swait.ge [sflag:s29], $0x1  }
0xb3: {  	[sflag:s29] =	ssyncadd.s32 $0xFFFFFFFF  }
0xb4: {  	_ =	strace $0x90000048  }
0xb5: {  	_ =	sfence  }
0xb6: {  	s30 =	sld [smem:$0x0];
	_ =	sdelay $0x2  }
0xb7: {  	s31 =	sshll.u32 s1, $0xD;
	s1 =	sshrl.u32 s1, $0x2  }
0xb8: {  	s3 =	sand.u32 $0x4000, s31;
	s1 =	sadd.s32 s1, s30  }
0xb9: {  	s0 =	sor.u32 s3, s0;
	s1 =	sshll.u32 s1, $0x11  }
0xba: {  	s0 =	sor.u32 s1, s0  }
0xbb: {  	s0 =	sadd.s32 $0x8F2B, s0  }
0xbc: {  	[sflag:s0] =	ssyncadd.remote.s32 $0x1  }
0xbd: {  	_ =	sfence.sel $0xFFFF  }
0xbe: {  	[dreg:$0x0] =	wrdreg $0xFFFFFFFF;
	(pc) =	sbr.abs _section_cstart, $3  }
0xbf: {  	[dreg:$0x1] =	wrdreg $0xFFFFFFFF  }
0xc0: {  	_ =	task.clear_ibuf [dreg:s6], $0x2FFFF;
	_ =	strace $0x9FFFFFFF  }
0xc1: {  	(tm) =	ssettm $0x7FFFFFFF  }
tec
execute0_lowered:
.L_overlay_start_1:
0x0: {  	(tag) =	ssettag $0x1  }
0x1: {  	s1 =	srdreg.scid;
	s0 =	stileid.u32  }
0x2: {  	s3 =	rddreg [dreg:$0x0];
	s8 =	simm.s32 $0x80;
	s9 =	simm.s32 $0x400  }
0x3: {  	s10 =	simm.s32 $0x2;
	s4 =	sand.u32 $0x1, s1;
	s2 =	sshll.u32 s0, $0x1  }
0x4: {  	s11 =	simm.s32 $0x0;
	s6 =	sshrl.u32 s0, $0x2;
	s5 =	sor.u32 s4, s2  }
0x5: {  	s1 =	rddreg [dreg:$0x1];
	s6 =	smul.u32 $0x13C00, s6;
	s7 =	sshll.u32 s5, $0x7  }
0x6: {  	s2 =	simm.s32 $0x0;
	s4 =	ssub.s32 $0x2, s4;
	s7 =	sand.u32 $0x380, s7  }
0x7: {  	[smem:$0x7FF] =	sst s2;
	s5 =	smul.u32 $0x2710, s5;
	s6 =	sor.u32 s6, s7  }
0x8: {  	s31 =	sshrl.u32 s4, $0x1;
	_ =	strace $0x80000047;
	s6 =	sshrl.u32 s6, $0x3  }
0x9: {  	s5 =	sshrl.u32 s5, $0x3;
	s7 =	ssub.s32 s4, s31;
	s6 =	sadd.s32 s6, s3  }
0xa: {  	s3 =	sadd.s32 s3, s5;
	s5 =	smax.u32 s7, $0x1;
	s7 =	simm.s32 $0x2780  }
0xb: {  	v0 =	vimm.f32 $0.0e+00;
	v1 =	vimm.f32 $1.000000000e+00;
	s3 =	sadd.s32 $0xCE40, s3;
	s4 =	sadd.s32 $0x16C00, s6;
	s6 =	simm.s32 $0x1  }
.LBB2_1:
0xc: {  	[tilespmem:s2], [sflag:$0x1] =	stream.linear.gather [hbm4b:s3+s2], $0x2710, $0x38;
	[tilespmem:$0x4F00] =	vst v63  }
0xd: {  	s12 =	simm.s32 $0x27A0  }
0xe: {  	[tilespmem:s12+$0xFFFFFFE0] =	vst v0  }
0xf: {  	[tilespmem:s12+$0x20] =	vst v0  }
0x10: {  	[tilespmem:s12+$0x10] =	vst v0  }
0x11: {  	s13 =	simm.s32 $0x0;
	[tilespmem:s12+$0x0] =	vst v0  }
.LBB2_2:
0x12: {  	s13 =	sadd.s32 $0x5, s13  }
0x13: {  	[tilespmem:s12+$0xFFFFFFF0] =	vst v0;
	s12 =	sadd.s32 $0x50, s12;
	p0 =	slt.u32 s13, $0x26C  }
.Ltmp0:
0x14: {  	[tilespmem:s12+$0xFFFFFFE0] =	vst v0;
	(pc) =	sbr.rel @p0 .LBB2_2-.Ltmp0, $4  }
0x15: {  	_ = 	snop  }
0x16: {  	[tilespmem:s12+$0x20] =	vst v0  }
0x17: {  	[tilespmem:s12+$0x10] =	vst v0  }
0x18: {  	[tilespmem:s12+$0x0] =	vst v0  }
0x19: {  	[tilespmem:s12+$0xFFFFFFF0] =	vst v0  }
0x1a: {  	_ =	swait.ge [sflag:s6], $0x2710  }
0x1b: {  	[sflag:s6] =	ssyncset.done $0x0  }
0x1c: {  	s31 =	simm.s32 $0x20;
	[sflag:s6] =	ssyncadd.s32 $0xFFFFD8F0  }
0x1d: {  	v5 =	vld [tilespmem:s31+$0x20]  }
0x1e: {  	v6 =	vld [tilespmem:s31+$0xFFFFFFF0];
	_ =	sdelay $0x3  }
0x1f: {  	v2 =	vld [tilespmem:s31+$0x0]  }
0x20: {  	v3 =	vld [tilespmem:s31+$0x10]  }
0x21: {  	v4 =	vld [tilespmem:s31+$0xFFFFFFE0]  }
0x22: {  	[tilespmem:v5+s7+$0x0] =	vst.idx.add.f32.msk $0xffff, v1  }
0x23: {  	s12 =	simm.s32 $0x0;
	s13 =	simm.s32 $0x70;
	[tilespmem:v6+s7+$0x0] =	vst.idx.add.f32.msk $0xffff, v1  }
.LBB2_4:
0x24: {  	v5 =	vld [tilespmem:s13+$0x20];
	s12 =	sadd.s32 $0x5, s12  }
0x25: {  	v6 =	vld [tilespmem:s13+$0xFFFFFFF0];
	p0 =	slt.u32 s12, $0x26C  }
0x26: {  	v7 =	vld [tilespmem:s13+$0x0]  }
0x27: {  	v8 =	vld [tilespmem:s13+$0x10]  }
0x28: {  	v9 =	vld [tilespmem:s13+$0xFFFFFFE0]  }
.Ltmp1:
0x29: {  	[tilespmem:v4+s7+$0x0] =	vst.idx.add.f32.msk $0xffff, v1;
	(pc) =	sbr.rel @p0 .LBB2_4-.Ltmp1, $4  }
0x2a: {  	[tilespmem:v2+s7+$0x0] =	vst.idx.add.f32.msk $0xffff, v1  }
0x2b: {  	[tilespmem:v3+s7+$0x0] =	vst.idx.add.f32.msk $0xffff, v1;
	v2 =	vmov v7  }
0x2c: {  	[tilespmem:v5+s7+$0x0] =	vst.idx.add.f32.msk $0xffff, v1;
	v3 =	vmov v8  }
0x2d: {  	s13 =	sadd.s32 $0x50, s13;
	[tilespmem:v6+s7+$0x0] =	vst.idx.add.f32.msk $0xffff, v1;
	v4 =	vmov v9  }
0x2e: {  	_ =	sdelay $0x3  }
0x2f: {  	[tilespmem:v4+s7+$0x0] =	vst.idx.add.f32.msk $0xffff, v1;
	s11 =	sadd.s32 $0x1, s11  }
0x30: {  	[tilespmem:v2+s7+$0x0] =	vst.idx.add.f32.msk $0xffff, v1;
	p0 =	sne.s32 s11, s5  }
.Ltmp2:
0x31: {  	[tilespmem:v3+s7+$0x0] =	vst.idx.add.f32.msk $0xffff, v1;
	(pc) =	sbr.rel @p0 .LBB2_1-.Ltmp2, $4  }
0x32: {  	[hbm4b:s4+s8] =	stream.strided.scatter [tilespmem:s7], [sflag:$0x2], $0x2780, s9, s8, $0x38;
	[tilespmem:$0x4F00] =	vst v63  }
0x33: {  	_ =	swait.ge [sflag:s10], $0x2780  }
0x34: {  	[sflag:s10] =	ssyncset.done $0x0  }
0x35: {  	[sflag:s10] =	ssyncadd.s32 $0xFFFFD880  }
0x36: {  	_ =	sfence.sel $0x180000  }
0x37: {  	[bflag:$0x0] =	sbarrier.arrive $0xFFFF  }
0x38: {  	p0 =	sne.s32 s0, $0x0;
	_ =	strace $0x90000047  }
0x39: {  	s0 =	sadd.s32 @!p0 $0x100000, s1;
	[bflag:$0x2] =	sbarrier.arrive $0xFFFF  }
0x3a: {  	[sflag:s0] =	ssyncadd.tile.s32 @!p0 $0x1;
	_ =	shalt  }
.Lfunc_end2:
_tile_overlayer_lowered:
.L_overlay_start_2:
0x3b: {  	(tag) =	ssettag $0x2  }
0x3c: {  	s0 =	rddreg [dreg:$0x0];
	s2 =	stileid.u32  }
0x3d: {  	s1 =	rddreg [dreg:$0x1];
	p0 =	sne.s32 s2, $0x0  }
0x3e: {  	s3 =	rddreg [dreg:$0x2];
	[bflag:$0x3] =	sbarrier.arrive $0xFFFF;
	s2 =	simm.s32 @!p0 $0x1C02  }
0x3f: {  	[timem:s3], [sflag:s2] =	dma.local @!p0 [hbm:s0], s1  }
0x40: {  	s0 =	simm.s32 @!p0 $0x2  }
0x41: {  	_ =	swait.ge @!p0 [sflag:s0], s1  }
0x42: {  	s1 =	ssub.s32 @!p0 $0x0, s1;
	[sflag:s0] =	ssyncset.done @!p0 $0x0  }
0x43: {  	[sflag:s0] =	ssyncadd.s32 @!p0 s1  }
0x44: {  	[bflag:$0x3] =	sbarrier.arrive $0xFFFF  }
0x45: {  	_ =	shalt  }

// kernel: kernel.14.cloned.1.call-start
scs
__scs_entry_jumppad:
0x0: {  	(pc) =	sbr.rel $0x88, $3  }
0x1: {  	(tag) =	ssettag $0x0;
	lr =	simm.s32 $0x1  }
0x2: {  	[smem:$0x3F97] =	sst lr;
	_ =	strace $0xD0000000  }
0x3: {  	_ = 	snop  }
0x4: {  	_ = 	snop  }
0x5: {  	_ = 	snop  }
0x6: {  	_ = 	snop  }
0x7: {  	_ = 	snop  }
__scs_overlays_trampoline_lowered:
0x8: {  	[smem:$0x3FA6] =	sst s0  }
0x9: {  	[smem:$0x3FA7] =	sst s1  }
0xa: {  	[smem:$0x3FA8] =	sst s2  }
0xb: {  	[smem:$0x3FA9] =	sst s3  }
0xc: {  	[smem:$0x3FAA] =	sst s4  }
0xd: {  	[smem:$0x3FAB] =	sst s5  }
0xe: {  	[smem:$0x3FAC] =	sst s6  }
0xf: {  	[smem:$0x3FAD] =	sst s7  }
0x10: {  	[smem:$0x3FAE] =	sst s8  }
0x11: {  	[smem:$0x3FAF] =	sst s9;
	s0 =	simm.s32 @!p0 $0x0  }
0x12: {  	s1 =	sld [smem:$0x3F95];
	s0 =	simm.s32 @p0 $0x1  }
0x13: {  	[smem:$0x3FB0] =	sst s0;
	s0 =	simm.s32 @!p1 $0x0  }
0x14: {  	s2 =	sld [smem:$0x3F94];
	s0 =	simm.s32 @p1 $0x1  }
0x15: {  	[smem:$0x3FB1] =	sst s0;
	s0 =	simm.s32 @!p2 $0x0  }
0x16: {  	s3 =	sld [smem:$0x3FDB];
	s0 =	simm.s32 @p2 $0x1  }
0x17: {  	s4 =	simm.s32 $0x1BF5;
	[smem:$0x3FB3] =	sst s0  }
0x18: {  	s0 =	sld [smem:$0x3F96];
	_ =	swait.ge [sflag:s4], $0x0  }
0x19: {  	s7 =	sld [smem:$0x3F97]  }
0x1a: {  	s8 =	sadd.s32 $0xFFFFE003, lr  }
0x1b: {  	s9 =	sadd.s32 $0xFFFFFEF7, lr;
	s5 =	simm.s32 $0xFFFFFFFF;
	p2 =	slt.u32 s8, $0xFFFFF086  }
0x1c: {  	p1 =	slt.u32 s9, $0xF7A;
	s5 =	simm.s32 @!p2 $0x0  }
0x1d: {  	s5 =	simm.s32 @p1 $0x1;
	p0 =	seq.s32 s7, s2  }
0x1e: {  	s7 =	smul.u32 @!p0 $0xF7A, s2;
	p2 =	seq.s32 @!p0 s5, $0x0  }
0x1f: {  	s9 =	smul.u32 $0xF7A, s1;
	s8 =	simm.s32 @!p0 $0x1BF5;
	p2 =	por !p2, p0  }
0x20: {  	[sflag:s8] =	ssyncset.s32 @!p0 $0xFFFFF086;
	s6 =	sadd.s32 @!p0 s3, s7;
	s7 =	simm.s32 @!p0 $0x108  }
0x21: {  	s3 =	sadd.s32 s3, s9;
	s6 =	sadd.s32 @!p0 $0x88, s6;
	s7 =	simm.s32 @p2 $0x1082  }
0x22: {  	[simem:s7], [sflag:s8] =	dma.local @!p0 [hbm:s6], $0xF7A  }
0x23: {  	s9 =	sor.u32 $0xD0000000, s2;
	s6 =	simm.s32 $0x108;
	_ =	swait.ge @!p0 [sflag:s8], $0x0  }
0x24: {  	s3 =	sadd.s32 $0x88, s3;
	s6 =	simm.s32 @!p1 $0x1082;
	[sflag:s4] =	ssyncset.s32 $0xFFFFF086  }
0x25: {  	[simem:s6], [sflag:s4] =	dma.local [hbm:s3], $0xF7A  }
0x26: {  	[smem:$0x3F97] =	sst s1;
	(tag) =	ssettag s2;
	_ =	strace s9  }
0x27: {  	s1 =	sld [smem:$0x3FA7]  }
0x28: {  	s2 =	sld [smem:$0x3FA8]  }
0x29: {  	s4 =	sld [smem:$0x3FAA]  }
0x2a: {  	p0 =	seq.s32 s5, $0x0;
	s5 =	sld [smem:$0x3FAB]  }
0x2b: {  	s6 =	sld [smem:$0x3FAC]  }
0x2c: {  	s7 =	sld [smem:$0x3FAD]  }
0x2d: {  	s3 =	simm.s32 $0x108;
	s8 =	sld [smem:$0x3FAE]  }
0x2e: {  	s3 =	simm.s32 @!p0 $0x1082;
	s9 =	sld [smem:$0x3FAF]  }
0x2f: {  	lr =	sadd.s32 s0, s3;
	s0 =	sld [smem:$0x3FA6]  }
0x30: {  	s3 =	sld [smem:$0x3FA9]  }
0x31: {  	[smem:$0x3FB2] =	sst s10  }
0x32: {  	s10 =	sld [smem:$0x3FB0];
	_ =	sdelay $0x3  }
0x33: {  	p0 =	seq.s32 s10, $0x1;
	s10 =	sld [smem:$0x3FB2];
	_ =	sdelay $0x3  }
0x34: {  	[smem:$0x3FB2] =	sst s10  }
0x35: {  	s10 =	sld [smem:$0x3FB1];
	_ =	sdelay $0x3  }
0x36: {  	p1 =	seq.s32 s10, $0x1;
	s10 =	sld [smem:$0x3FB2];
	_ =	sdelay $0x3  }
0x37: {  	[smem:$0x3FB2] =	sst s10  }
0x38: {  	s10 =	sld [smem:$0x3FB3]  }
0x39: {  	_ = 	snop;
	(pc) =	sbr.ind lr, $3  }
0x3a: {  	_ = 	snop  }
0x3b: {  	_ = 	snop  }
0x3c: {  	p2 =	seq.s32 s10, $0x1;
	s10 =	sld [smem:$0x3FB2]  }
0x3d: {  	_ =	shalt  }
0x3e: {  	_ =	shalt  }
0x3f: {  	_ =	shalt  }
0x40: {  	_ =	shalt  }
0x41: {  	_ =	shalt  }
0x42: {  	_ =	shalt  }
0x43: {  	_ =	shalt  }
0x44: {  	_ =	shalt  }
0x45: {  	_ =	shalt  }
0x46: {  	_ =	shalt  }
0x47: {  	_ =	shalt  }
0x48: {  	_ =	shalt  }
0x49: {  	_ =	shalt  }
0x4a: {  	_ =	shalt  }
0x4b: {  	_ =	shalt  }
0x4c: {  	_ =	shalt  }
0x4d: {  	_ =	shalt  }
0x4e: {  	_ =	shalt  }
0x4f: {  	_ =	shalt  }
0x50: {  	_ =	shalt  }
0x51: {  	_ =	shalt  }
0x52: {  	_ =	shalt  }
0x53: {  	_ =	shalt  }
0x54: {  	_ =	shalt  }
0x55: {  	_ =	shalt  }
0x56: {  	_ =	shalt  }
0x57: {  	_ =	shalt  }
0x58: {  	_ =	shalt  }
0x59: {  	_ =	shalt  }
0x5a: {  	_ =	shalt  }
0x5b: {  	_ =	shalt  }
0x5c: {  	_ =	shalt  }
0x5d: {  	_ =	shalt  }
0x5e: {  	_ =	shalt  }
0x5f: {  	_ =	shalt  }
0x60: {  	_ =	shalt  }
0x61: {  	_ =	shalt  }
0x62: {  	_ =	shalt  }
0x63: {  	_ =	shalt  }
0x64: {  	_ =	shalt  }
0x65: {  	_ =	shalt  }
0x66: {  	_ =	shalt  }
0x67: {  	_ =	shalt  }
0x68: {  	_ =	shalt  }
0x69: {  	_ =	shalt  }
0x6a: {  	_ =	shalt  }
0x6b: {  	_ =	shalt  }
0x6c: {  	_ =	shalt  }
0x6d: {  	_ =	shalt  }
0x6e: {  	_ =	shalt  }
0x6f: {  	_ =	shalt  }
0x70: {  	_ =	shalt  }
0x71: {  	_ =	shalt  }
0x72: {  	_ =	shalt  }
0x73: {  	_ =	shalt  }
0x74: {  	_ =	shalt  }
0x75: {  	_ =	shalt  }
0x76: {  	_ =	shalt  }
0x77: {  	_ =	shalt  }
0x78: {  	_ =	shalt  }
0x79: {  	_ =	shalt  }
0x7a: {  	_ =	shalt  }
0x7b: {  	_ =	shalt  }
0x7c: {  	_ =	shalt  }
0x7d: {  	_ =	shalt  }
0x7e: {  	_ =	shalt  }
0x7f: {  	_ =	shalt  }
0x80: {  	_ =	shalt  }
0x81: {  	_ =	shalt  }
0x82: {  	_ =	shalt  }
0x83: {  	_ =	shalt  }
0x84: {  	_ =	shalt  }
0x85: {  	_ =	shalt  }
0x86: {  	_ =	shalt  }
0x87: {  	_ =	shalt  }
.Lfunc_end0:
.L_simem_size_0:
called_computation.1_lowered:
.L_overlay_start_0:
0x88: {  	s2 =	sld [smem:$0x3FD9]  }
0x89: {  	s3 =	sld [smem:$0x3FFE];
	_ =	sdelay $0x1  }
0x8a: {  	s1 =	srdreg.scid  }
0x8b: {  	s0 =	sand.u32 $0x1, s1  }
0x8c: {  	s17 =	sshll.u32 s0, $0xA;
	s2 =	sadd.s32 s3, s2  }
0x8d: {  	s2 =	sadd.s32 s2, s17  }
0x8e: {  	[smem:$0x3FBE] =	sst s2  }
0x8f: {  	_ = 	snop  }
0x90: {  	s2 =	sld [smem:$0x3FD0];
	(tm) =	ssettm $0x1  }
0x91: {  	s18 =	sld [smem:$0x3FFB];
	_ =	sdelay $0x3  }
0x92: {  	_ =	strace s18  }
0x93: {  	s3 =	sld [smem:$0x3FFC];
	_ =	sdelay $0x3  }
0x94: {  	_ =	strace s3  }
0x95: {  	s3 =	sld [smem:$0x3FFD];
	_ =	sdelay $0x3  }
0x96: {  	_ =	strace s3  }
0x97: {  	_ =	strace $0x8FFFFFFF  }
0x98: {  	s19 =	sld [smem:$0x3FDB];
	_ =	sdelay $0x1  }
0x99: {  	s4 =	simm.s32 $_scs_section_size  }
0x9a: {  	s5 =	simm.s32 $_size__tile_overlayer_lowered;
	s6 =	simm.s32 $_tile_overlayer_lowered  }
0x9b: {  	s22 =	simm.s32 $0x1BFF;
	s21 =	sshll.u32 s6, $0x1;
	s3 =	sadd.s32 s4, s19  }
0x9c: {  	s7 =	simm.s32 $0x0;
	s20 =	sshll.u32 s5, $0x1;
	s5 =	sadd.s32 s21, s3  }
0x9d: {  	[timem:s7], [sflag:s22] =	dma.local [hbm:s5], s20  }
0x9e: {  	_ =	swait.ge [sflag:s22], s20  }
0x9f: {  	s4 =	ssub.s32 $0x0, s20;
	[sflag:s22] =	ssyncset.done $0x0  }
0xa0: {  	[sflag:s22] =	ssyncadd.s32 s4;
	_ =	sdelay $0x1  }
0xa1: {  	s23 =	simm.s32 $0x1B8B  }
0xa2: {  	_ =	swait.ge [sflag:s23], $0x1  }
0xa3: {  	[sflag:s23] =	ssyncset.done $0x0  }
0xa4: {  	s25 =	simm.s32 $0x1B8E;
	s24 =	sld [smem:$0x3FFE];
	[sflag:s23] =	ssyncadd.s32 $0xFFFFFFFF  }
0xa5: {  	s26 =	simm.s32 $execute0_lowered;
	[smem:$0x3FD2] =	sst s25  }
0xa6: {  	s5 =	sshll.u32 s26, $0x1;
	_ =	strace $0x80000049;
	[dreg:$0x1] =	wrdreg $0xFFFFFFFF  }
0xa7: {  	s28 =	simm.s32 $_size_execute0_lowered;
	s3 =	sadd.s32 s3, s5;
	[dreg:$0x0] =	wrdreg $0x0  }
0xa8: {  	s5 =	sshll.u32 s28, $0x1;
	[dreg:$0x2] =	wrdreg s3  }
0xa9: {  	[dreg:$0x3] =	wrdreg s5  }
0xaa: {  	[dreg:$0x4] =	wrdreg $0xC0  }
0xab: {  	_ =	task [dreg:s7], $0x5FFFF  }
0xac: {  	[dreg:$0x1] =	wrdreg $0xFFFFFFFF  }
0xad: {  	[dreg:$0x0] =	wrdreg $0x60  }
0xae: {  	[dreg:$0x2] =	wrdreg s24  }
0xaf: {  	[dreg:$0x3] =	wrdreg s2  }
0xb0: {  	[dreg:$0x4] =	wrdreg $0x188000  }
0xb1: {  	[dreg:$0x5] =	wrdreg $0x9  }
0xb2: {  	_ =	task.clear_ibuf [dreg:s7], $0x6FFFF;
	_ =	strace $0x90000049  }
0xb3: {  	s29 =	simm.s32 $0x9;
	_ =	strace $0x8000004B  }
0xb4: {  	_ =	swait.ge [sflag:s29], $0x1  }
0xb5: {  	[sflag:s29] =	ssyncadd.s32 $0xFFFFFFFF  }
0xb6: {  	_ =	strace $0x9000004B  }
0xb7: {  	_ =	sfence  }
0xb8: {  	s30 =	sld [smem:$0x0];
	_ =	sdelay $0x2  }
0xb9: {  	s31 =	sshll.u32 s1, $0xD;
	s1 =	sshrl.u32 s1, $0x2  }
0xba: {  	s3 =	sand.u32 $0x4000, s31;
	s1 =	sadd.s32 s1, s30  }
0xbb: {  	s0 =	sor.u32 s3, s0;
	s1 =	sshll.u32 s1, $0x11  }
0xbc: {  	s0 =	sor.u32 s1, s0  }
0xbd: {  	s0 =	sadd.s32 $0x8F2B, s0  }
0xbe: {  	[sflag:s0] =	ssyncadd.remote.s32 $0x1  }
0xbf: {  	_ =	sfence.sel $0xFFFF  }
0xc0: {  	[dreg:$0x0] =	wrdreg $0xFFFFFFFF;
	(pc) =	sbr.abs _section_cstart, $3  }
0xc1: {  	[dreg:$0x1] =	wrdreg $0xFFFFFFFF  }
0xc2: {  	_ =	task.clear_ibuf [dreg:s7], $0x2FFFF;
	_ =	strace $0x9FFFFFFF  }
0xc3: {  	(tm) =	ssettm $0x7FFFFFFF  }
tec
execute0_lowered:
.L_overlay_start_1:
0x0: {  	(tag) =	ssettag $0x1  }
0x1: {  	s4 =	rddreg [dreg:$0x0]  }
0x2: {  	s0 =	rddreg [dreg:$0x1]  }
0x3: {  	s1 =	srdreg.scid;
	s8 =	stileid.u32  }
0x4: {  	s2 =	rddreg [dreg:$0x2];
	s10 =	simm.s32 $0x4F00;
	s11 =	simm.s32 $0x3  }
0x5: {  	s12 =	simm.s32 $0x1;
	s13 =	simm.s32 $0x2;
	s14 =	simm.s32 $0xEB80  }
0x6: {  	s15 =	simm.s32 $0x80;
	s16 =	simm.s32 $0x400;
	s17 =	simm.s32 $0x0  }
0x7: {  	s5 =	sand.u32 $0x1, s1;
	s3 =	sshll.u32 s8, $0x1;
	s1 =	rddreg [dreg:$0x3]  }
0x8: {  	s7 =	sshrl.u32 s8, $0x2;
	p0 =	sne.s32 s8, $0x0;
	s8 =	simm.s32 $0x2780  }
0x9: {  	s6 =	sor.u32 s5, s3;
	s3 =	simm.s32 $0x0;
	s7 =	smul.u32 $0x4E400, s7  }
0xa: {  	s5 =	ssub.s32 $0x2, s5;
	s9 =	sshll.u32 s6, $0x7;
	s6 =	smul.u32 $0x2710, s6  }
0xb: {  	[smem:$0x7FF] =	sst s3;
	s31 =	sshrl.u32 s5, $0x1;
	s9 =	sand.u32 $0x380, s9  }
0xc: {  	_ =	strace $0x8000004A;
	s7 =	sor.u32 s7, s9;
	s6 =	sshrl.u32 s6, $0x3  }
0xd: {  	s9 =	ssub.s32 s5, s31;
	s7 =	sshrl.u32 s7, $0x3;
	s6 =	sadd.s32 s6, s4  }
0xe: {  	s7 =	sadd.s32 s7, s4;
	s4 =	sadd.s32 $0x3200, s6;
	s5 =	sadd.s32 $0xCE40, s6  }
0xf: {  	v0 =	vimm.f32 $0.0e+00;
	s6 =	sadd.s32 $0x16C00, s7;
	s7 =	smax.u32 s9, $0x1;
	s9 =	sshrl.u32 @!p0 s2, $0x3  }
.LBB2_1:
0x10: {  	[tilespmem:s3], [sflag:$0x1] =	stream.linear.gather [hbm4b:s4+s3], $0x2710, $0x38;
	[tilespmem:$0x191C8] =	vst v63  }
0x11: {  	s18 =	simm.s32 @!p0 $0x1C03  }
0x12: {  	[tilespmem:s8], [sflag:$0x2] =	stream.linear.gather [hbm4b:s5+s3], $0x2710, $0x38;
	[tilespmem:$0x191C8] =	vst v63  }
0x13: {  	[spmem:s9], [sflag:s18] =	dma.local @!p0 [hbm:s0], $0x1390  }
0x14: {  	s18 =	simm.s32 @!p0 $0x3  }
0x15: {  	_ =	swait.ge @!p0 [sflag:s18], $0x1390  }
0x16: {  	[sflag:s18] =	ssyncset.done @!p0 $0x0  }
0x17: {  	[sflag:s18] =	ssyncadd.s32 @!p0 $0xFFFFEC70;
	s18 =	simm.s32 $0xEBA0  }
0x18: {  	[tilespmem:s18+$0xFFFFFFE0] =	vst v0  }
0x19: {  	[tilespmem:s18+$0x20] =	vst v0  }
0x1a: {  	[tilespmem:s18+$0x10] =	vst v0  }
0x1b: {  	s19 =	simm.s32 $0x0;
	[tilespmem:s18+$0x0] =	vst v0  }
.LBB2_2:
0x1c: {  	s19 =	sadd.s32 $0x5, s19  }
0x1d: {  	[tilespmem:s18+$0xFFFFFFF0] =	vst v0;
	s18 =	sadd.s32 $0x50, s18;
	p1 =	slt.u32 s19, $0x9BF  }
.Ltmp0:
0x1e: {  	[tilespmem:s18+$0xFFFFFFE0] =	vst v0;
	(pc) =	sbr.rel @p1 .LBB2_2-.Ltmp0, $4  }
0x1f: {  	_ = 	snop  }
0x20: {  	[tilespmem:s18+$0x20] =	vst v0  }
0x21: {  	[tilespmem:s18+$0x10] =	vst v0  }
0x22: {  	[tilespmem:s18+$0x0] =	vst v0  }
0x23: {  	[tilespmem:s18+$0xFFFFFFF0] =	vst v0  }
0x24: {  	[bflag:$0x0] =	sbarrier.arrive $0xFFFF  }
0x25: {  	[tilespmem:s10], [sflag:$0x3] =	stream.linear.gather [spmem:s2], $0x9C80, $0x38;
	[tilespmem:$0x191C8] =	vst v63  }
0x26: {  	_ =	swait.ge [sflag:s11], $0x9C80  }
0x27: {  	[sflag:s11] =	ssyncset.done $0x0  }
0x28: {  	[sflag:s11] =	ssyncadd.s32 $0xFFFF6380  }
0x29: {  	_ =	swait.ge [sflag:s12], $0x2710  }
0x2a: {  	[sflag:s12] =	ssyncset.done $0x0  }
0x2b: {  	[sflag:s12] =	ssyncadd.s32 $0xFFFFD8F0  }
0x2c: {  	_ =	swait.ge [sflag:s13], $0x2710  }
0x2d: {  	[sflag:s13] =	ssyncset.done $0x0  }
0x2e: {  	s19 =	simm.s32 $0x20;
	[sflag:s13] =	ssyncadd.s32 $0xFFFFD8F0  }
0x2f: {  	v1 =	vld [tilespmem:s19+$0x20]  }
0x30: {  	v2 =	vld [tilespmem:s19+$0xFFFFFFF0]  }
0x31: {  	v3 =	vld [tilespmem:s19+$0x0]  }
0x32: {  	s18 =	simm.s32 $0x27A0;
	v4 =	vld [tilespmem:s19+$0xFFFFFFE0]  }
0x33: {  	v5 =	vld [tilespmem:s18+$0x20]  }
0x34: {  	v6 =	vld [tilespmem:s19+$0x10]  }
0x35: {  	v7 =	vld [tilespmem:s18+$0xFFFFFFE0]  }
0x36: {  	v13 =	vld [tilespmem:s18+$0xFFFFFFF0]  }
0x37: {  	v14 =	vld [tilespmem:s18+$0x0]  }
0x38: {  	v16 =	vld [tilespmem:s18+$0x10]  }
0x39: {  	v8 =	vld.idx.msk [tilespmem:v1+s10+$0x0], $0xffff  }
0x3a: {  	v12 =	vld.idx.msk [tilespmem:v4+s10+$0x0], $0xffff  }
0x3b: {  	v9 =	vld.idx.msk [tilespmem:v2+s10+$0x0], $0xffff  }
0x3c: {  	v10 =	vadd.s32 $0x2710, v1;
	v11 =	vld.idx.msk [tilespmem:v3+s10+$0x0], $0xffff  }
0x3d: {  	v18 =	vld.idx.msk [tilespmem:v6+s10+$0x0], $0xffff  }
0x3e: {  	[tilespmem:v5+s14+$0x0] =	vst.idx.add.f32.msk $0xffff, v8  }
0x3f: {  	v51 =	vadd.s32 $0x2710, v2;
	[tilespmem:v7+s14+$0x0] =	vst.idx.add.f32.msk $0xffff, v12  }
0x40: {  	v54 =	vadd.s32 $0x2710, v6;
	[tilespmem:v13+s14+$0x0] =	vst.idx.add.f32.msk $0xffff, v9  }
0x41: {  	v15 =	vadd.s32 $0x2710, v5;
	v10 =	vld.idx.msk [tilespmem:v10+s10+$0x0], $0xffff  }
0x42: {  	v17 =	vadd.s32 $0x4E20, v1;
	[tilespmem:v14+s14+$0x0] =	vst.idx.add.f32.msk $0xffff, v11  }
0x43: {  	v8 =	vadd.s32 $0x2710, v4;
	[tilespmem:v16+s14+$0x0] =	vst.idx.add.f32.msk $0xffff, v18  }
0x44: {  	v52 =	vadd.s32 $0x2710, v3;
	v12 =	vld.idx.msk [tilespmem:v51+s10+$0x0], $0xffff  }
0x45: {  	v56 =	vadd.s32 $0x2710, v13;
	v11 =	vld.idx.msk [tilespmem:v54+s10+$0x0], $0xffff  }
0x46: {  	v58 =	vadd.s32 $0x2710, v16;
	[tilespmem:v15+s14+$0x0] =	vst.idx.add.f32.msk $0xffff, v10  }
0x47: {  	v53 =	vadd.s32 $0x4E20, v5;
	v15 =	vld.idx.msk [tilespmem:v17+s10+$0x0], $0xffff  }
0x48: {  	v1 =	vadd.s32 $0x7530, v1;
	v8 =	vld.idx.msk [tilespmem:v8+s10+$0x0], $0xffff  }
0x49: {  	v55 =	vadd.s32 $0x2710, v7;
	v10 =	vld.idx.msk [tilespmem:v52+s10+$0x0], $0xffff  }
0x4a: {  	v19 =	vadd.s32 $0x2710, v14;
	[tilespmem:v56+s14+$0x0] =	vst.idx.add.f32.msk $0xffff, v12  }
0x4b: {  	v57 =	vadd.s32 $0x4E20, v4;
	[tilespmem:v58+s14+$0x0] =	vst.idx.add.f32.msk $0xffff, v11  }
0x4c: {  	v60 =	vadd.s32 $0x4E20, v6;
	[tilespmem:v53+s14+$0x0] =	vst.idx.add.f32.msk $0xffff, v15  }
0x4d: {  	v5 =	vadd.s32 $0x7530, v5;
	v1 =	vld.idx.msk [tilespmem:v1+s10+$0x0], $0xffff  }
0x4e: {  	[tilespmem:v55+s14+$0x0] =	vst.idx.add.f32.msk $0xffff, v8;
	v8 =	vadd.s32 $0x4E20, v2  }
0x4f: {  	v59 =	vadd.s32 $0x4E20, v3;
	[tilespmem:v19+s14+$0x0] =	vst.idx.add.f32.msk $0xffff, v10  }
0x50: {  	v61 =	vadd.s32 $0x4E20, v7;
	v9 =	vld.idx.msk [tilespmem:v57+s10+$0x0], $0xffff  }
0x51: {  	v63 =	vadd.s32 $0x4E20, v16;
	v10 =	vld.idx.msk [tilespmem:v60+s10+$0x0], $0xffff  }
0x52: {  	[tilespmem:v5+s14+$0x0] =	vst.idx.add.f32.msk $0xffff, v1;
	v1 =	vadd.s32 $0x7530, v4  }
0x53: {  	v4 =	vadd.s32 $0x4E20, v13;
	v5 =	vld.idx.msk [tilespmem:v8+s10+$0x0], $0xffff  }
0x54: {  	v62 =	vld.idx.msk [tilespmem:v59+s10+$0x0], $0xffff;
	v8 =	vadd.s32 $0x4E20, v14  }
0x55: {  	v2 =	vadd.s32 $0x7530, v2;
	[tilespmem:v61+s14+$0x0] =	vst.idx.add.f32.msk $0xffff, v9  }
0x56: {  	v3 =	vadd.s32 $0x7530, v3;
	[tilespmem:v63+s14+$0x0] =	vst.idx.add.f32.msk $0xffff, v10  }
0x57: {  	v9 =	vld.idx.msk [tilespmem:v1+s10+$0x0], $0xffff;
	v1 =	vadd.s32 $0x7530, v6  }
0x58: {  	v7 =	vadd.s32 $0x7530, v7;
	[tilespmem:v4+s14+$0x0] =	vst.idx.add.f32.msk $0xffff, v5  }
0x59: {  	[tilespmem:v8+s14+$0x0] =	vst.idx.add.f32.msk $0xffff, v62  }
0x5a: {  	v6 =	vld.idx.msk [tilespmem:v2+s10+$0x0], $0xffff  }
0x5b: {  	v5 =	vld.idx.msk [tilespmem:v3+s10+$0x0], $0xffff  }
0x5c: {  	v3 =	vld.idx.msk [tilespmem:v1+s10+$0x0], $0xffff  }
0x5d: {  	s20 =	simm.s32 $0x70;
	s19 =	simm.s32 $0x0;
	v4 =	vadd.s32 $0x7530, v13;
	v2 =	vadd.s32 $0x7530, v14;
	v1 =	vadd.s32 $0x7530, v16;
	[tilespmem:v7+s14+$0x0] =	vst.idx.add.f32.msk $0xffff, v9  }
.LBB2_4:
0x5e: {  	v7 =	vld [tilespmem:s20+$0x20];
	s19 =	sadd.s32 $0x5, s19  }
0x5f: {  	v8 =	vld [tilespmem:s20+$0xFFFFFFF0];
	p1 =	slt.u32 s19, $0x26C  }
0x60: {  	v9 =	vld [tilespmem:s20+$0x0]  }
0x61: {  	v10 =	vld [tilespmem:s20+$0x10]  }
0x62: {  	v11 =	vld [tilespmem:s20+$0xFFFFFFE0]  }
0x63: {  	s18 =	sadd.s32 $0x50, s18;
	[tilespmem:v4+s14+$0x0] =	vst.idx.add.f32.msk $0xffff, v6  }
0x64: {  	v6 =	vadd.s32 $0x2710, v8;
	v12 =	vadd.s32 $0x4E20, v8;
	v13 =	vadd.s32 $0x7530, v8;
	v14 =	vld [tilespmem:s18+$0x20]  }
0x65: {  	v4 =	vld [tilespmem:s18+$0xFFFFFFE0];
	v15 =	vadd.s32 $0x2710, v9;
	v16 =	vadd.s32 $0x4E20, v9;
	v17 =	vadd.s32 $0x7530, v9  }
0x66: {  	v18 =	vadd.s32 $0x2710, v10;
	v19 =	vadd.s32 $0x4E20, v10;
	v20 =	vadd.s32 $0x7530, v10;
	v21 =	vld.idx.msk [tilespmem:v7+s10+$0x0], $0xffff  }
0x67: {  	v22 =	vadd.s32 $0x2710, v11;
	v23 =	vadd.s32 $0x4E20, v11;
	v24 =	vadd.s32 $0x7530, v11;
	v8 =	vld.idx.msk [tilespmem:v8+s10+$0x0], $0xffff  }
0x68: {  	v25 =	vadd.s32 $0x2710, v7;
	v9 =	vld.idx.msk [tilespmem:v9+s10+$0x0], $0xffff  }
0x69: {  	v10 =	vld.idx.msk [tilespmem:v10+s10+$0x0], $0xffff  }
0x6a: {  	v11 =	vld.idx.msk [tilespmem:v11+s10+$0x0], $0xffff;
	v26 =	vadd.s32 $0x2710, v4;
	v27 =	vadd.s32 $0x4E20, v4;
	v28 =	vadd.s32 $0x7530, v4  }
0x6b: {  	v29 =	vld [tilespmem:s18+$0xFFFFFFF0]  }
0x6c: {  	[tilespmem:v14+s14+$0x0] =	vst.idx.add.f32.msk $0xffff, v21  }
0x6d: {  	v21 =	vld.idx.msk [tilespmem:v25+s10+$0x0], $0xffff  }
0x6e: {  	v30 =	vadd.s32 $0x2710, v14;
	v25 =	vld [tilespmem:s18+$0x0]  }
0x6f: {  	v32 =	vadd.s32 $0x4E20, v7;
	v31 =	vld [tilespmem:s18+$0x10]  }
0x70: {  	[tilespmem:v4+s14+$0x0] =	vst.idx.add.f32.msk $0xffff, v11;
	v11 =	vadd.s32 $0x2710, v29;
	v33 =	vadd.s32 $0x4E20, v29;
	v4 =	vadd.s32 $0x7530, v29  }
0x71: {  	v22 =	vld.idx.msk [tilespmem:v22+s10+$0x0], $0xffff  }
0x72: {  	[tilespmem:v2+s14+$0x0] =	vst.idx.add.f32.msk $0xffff, v5  }
0x73: {  	v5 =	vadd.s32 $0x2710, v25;
	v34 =	vadd.s32 $0x4E20, v25;
	v2 =	vadd.s32 $0x7530, v25;
	[tilespmem:v30+s14+$0x0] =	vst.idx.add.f32.msk $0xffff, v21  }
0x74: {  	v21 =	vadd.s32 $0x2710, v31;
	v30 =	vadd.s32 $0x4E20, v31;
	v35 =	vadd.s32 $0x7530, v31;
	v32 =	vld.idx.msk [tilespmem:v32+s10+$0x0], $0xffff  }
0x75: {  	[tilespmem:v29+s14+$0x0] =	vst.idx.add.f32.msk $0xffff, v8;
	v8 =	vadd.s32 $0x4E20, v14  }
0x76: {  	v7 =	vadd.s32 $0x7530, v7;
	[tilespmem:v25+s14+$0x0] =	vst.idx.add.f32.msk $0xffff, v9  }
0x77: {  	[tilespmem:v31+s14+$0x0] =	vst.idx.add.f32.msk $0xffff, v10  }
0x78: {  	v6 =	vld.idx.msk [tilespmem:v6+s10+$0x0], $0xffff  }
0x79: {  	v9 =	vld.idx.msk [tilespmem:v15+s10+$0x0], $0xffff  }
0x7a: {  	[tilespmem:v8+s14+$0x0] =	vst.idx.add.f32.msk $0xffff, v32  }
0x7b: {  	v7 =	vld.idx.msk [tilespmem:v7+s10+$0x0], $0xffff  }
0x7c: {  	v10 =	vadd.s32 $0x7530, v14;
	v8 =	vld.idx.msk [tilespmem:v18+s10+$0x0], $0xffff  }
0x7d: {  	[tilespmem:v26+s14+$0x0] =	vst.idx.add.f32.msk $0xffff, v22  }
0x7e: {  	[tilespmem:v11+s14+$0x0] =	vst.idx.add.f32.msk $0xffff, v6  }
0x7f: {  	[tilespmem:v5+s14+$0x0] =	vst.idx.add.f32.msk $0xffff, v9  }
0x80: {  	v5 =	vld.idx.msk [tilespmem:v23+s10+$0x0], $0xffff  }
0x81: {  	[tilespmem:v10+s14+$0x0] =	vst.idx.add.f32.msk $0xffff, v7  }
0x82: {  	[tilespmem:v21+s14+$0x0] =	vst.idx.add.f32.msk $0xffff, v8  }
0x83: {  	v6 =	vld.idx.msk [tilespmem:v12+s10+$0x0], $0xffff  }
0x84: {  	v7 =	vld.idx.msk [tilespmem:v16+s10+$0x0], $0xffff  }
0x85: {  	v8 =	vld.idx.msk [tilespmem:v19+s10+$0x0], $0xffff  }
0x86: {  	[tilespmem:v27+s14+$0x0] =	vst.idx.add.f32.msk $0xffff, v5  }
0x87: {  	v9 =	vld.idx.msk [tilespmem:v24+s10+$0x0], $0xffff  }
0x88: {  	[tilespmem:v1+s14+$0x0] =	vst.idx.add.f32.msk $0xffff, v3;
	v1 =	vmov v35  }
0x89: {  	[tilespmem:v33+s14+$0x0] =	vst.idx.add.f32.msk $0xffff, v6  }
0x8a: {  	[tilespmem:v34+s14+$0x0] =	vst.idx.add.f32.msk $0xffff, v7  }
.Ltmp1:
0x8b: {  	[tilespmem:v30+s14+$0x0] =	vst.idx.add.f32.msk $0xffff, v8;
	(pc) =	sbr.rel @p1 .LBB2_4-.Ltmp1, $4  }
0x8c: {  	v6 =	vld.idx.msk [tilespmem:v13+s10+$0x0], $0xffff  }
0x8d: {  	v5 =	vld.idx.msk [tilespmem:v17+s10+$0x0], $0xffff  }
0x8e: {  	v3 =	vld.idx.msk [tilespmem:v20+s10+$0x0], $0xffff  }
0x8f: {  	s20 =	sadd.s32 $0x50, s20;
	[tilespmem:v28+s14+$0x0] =	vst.idx.add.f32.msk $0xffff, v9  }
0x90: {  	_ =	sdelay $0x3  }
0x91: {  	s17 =	sadd.s32 $0x1, s17;
	[tilespmem:v4+s14+$0x0] =	vst.idx.add.f32.msk $0xffff, v6  }
0x92: {  	p1 =	sne.s32 s17, s7;
	[tilespmem:v2+s14+$0x0] =	vst.idx.add.f32.msk $0xffff, v5  }
.Ltmp2:
0x93: {  	[tilespmem:v1+s14+$0x0] =	vst.idx.add.f32.msk $0xffff, v3;
	(pc) =	sbr.rel @p1 .LBB2_1-.Ltmp2, $4  }
0x94: {  	[hbm4b:s6+s15] =	stream.strided.scatter [tilespmem:s14], [sflag:$0x3], $0x9C80, s16, s15, $0x38;
	[tilespmem:$0x191C8] =	vst v63  }
0x95: {  	_ =	swait.ge [sflag:s11], $0x9C80  }
0x96: {  	[sflag:s11] =	ssyncset.done $0x0  }
0x97: {  	[sflag:s11] =	ssyncadd.s32 $0xFFFF6380  }
0x98: {  	_ =	sfence.sel $0x180000  }
0x99: {  	[bflag:$0x0] =	sbarrier.arrive $0xFFFF  }
0x9a: {  	_ =	strace $0x9000004A  }
0x9b: {  	s0 =	sadd.s32 @!p0 $0x100000, s1;
	[bflag:$0x2] =	sbarrier.arrive $0xFFFF  }
0x9c: {  	[sflag:s0] =	ssyncadd.tile.s32 @!p0 $0x1;
	_ =	shalt  }
.Lfunc_end2:
_tile_overlayer_lowered:
.L_overlay_start_2:
0x9d: {  	(tag) =	ssettag $0x2  }
0x9e: {  	s0 =	rddreg [dreg:$0x0];
	s2 =	stileid.u32  }
0x9f: {  	s1 =	rddreg [dreg:$0x1];
	p0 =	sne.s32 s2, $0x0  }
0xa0: {  	s3 =	rddreg [dreg:$0x2];
	[bflag:$0x3] =	sbarrier.arrive $0xFFFF;
	s2 =	simm.s32 @!p0 $0x1C03  }
0xa1: {  	[timem:s3], [sflag:s2] =	dma.local @!p0 [hbm:s0], s1  }
0xa2: {  	s0 =	simm.s32 @!p0 $0x3  }
0xa3: {  	_ =	swait.ge @!p0 [sflag:s0], s1  }
0xa4: {  	s1 =	ssub.s32 @!p0 $0x0, s1;
	[sflag:s0] =	ssyncset.done @!p0 $0x0  }
0xa5: {  	[sflag:s0] =	ssyncadd.s32 @!p0 s1  }
0xa6: {  	[bflag:$0x3] =	sbarrier.arrive $0xFFFF  }
0xa7: {  	_ =	shalt  }

// kernel: kernel.17.cloned.1.call-start
scs
__scs_entry_jumppad:
0x0: {  	(pc) =	sbr.rel $0x88, $3  }
0x1: {  	(tag) =	ssettag $0x0;
	lr =	simm.s32 $0x1  }
0x2: {  	[smem:$0x3F97] =	sst lr;
	_ =	strace $0xD0000000  }
0x3: {  	_ = 	snop  }
0x4: {  	_ = 	snop  }
0x5: {  	_ = 	snop  }
0x6: {  	_ = 	snop  }
0x7: {  	_ = 	snop  }
__scs_overlays_trampoline_lowered:
0x8: {  	[smem:$0x3FA6] =	sst s0  }
0x9: {  	[smem:$0x3FA7] =	sst s1  }
0xa: {  	[smem:$0x3FA8] =	sst s2  }
0xb: {  	[smem:$0x3FA9] =	sst s3  }
0xc: {  	[smem:$0x3FAA] =	sst s4  }
0xd: {  	[smem:$0x3FAB] =	sst s5  }
0xe: {  	[smem:$0x3FAC] =	sst s6  }
0xf: {  	[smem:$0x3FAD] =	sst s7  }
0x10: {  	[smem:$0x3FAE] =	sst s8  }
0x11: {  	[smem:$0x3FAF] =	sst s9;
	s0 =	simm.s32 @!p0 $0x0  }
0x12: {  	s1 =	sld [smem:$0x3F95];
	s0 =	simm.s32 @p0 $0x1  }
0x13: {  	[smem:$0x3FB0] =	sst s0;
	s0 =	simm.s32 @!p1 $0x0  }
0x14: {  	s2 =	sld [smem:$0x3F94];
	s0 =	simm.s32 @p1 $0x1  }
0x15: {  	[smem:$0x3FB1] =	sst s0;
	s0 =	simm.s32 @!p2 $0x0  }
0x16: {  	s3 =	sld [smem:$0x3FDB];
	s0 =	simm.s32 @p2 $0x1  }
0x17: {  	s4 =	simm.s32 $0x1BF5;
	[smem:$0x3FB3] =	sst s0  }
0x18: {  	s0 =	sld [smem:$0x3F96];
	_ =	swait.ge [sflag:s4], $0x0  }
0x19: {  	s7 =	sld [smem:$0x3F97]  }
0x1a: {  	s8 =	sadd.s32 $0xFFFFE003, lr  }
0x1b: {  	s9 =	sadd.s32 $0xFFFFFEF7, lr;
	s5 =	simm.s32 $0xFFFFFFFF;
	p2 =	slt.u32 s8, $0xFFFFF086  }
0x1c: {  	p1 =	slt.u32 s9, $0xF7A;
	s5 =	simm.s32 @!p2 $0x0  }
0x1d: {  	s5 =	simm.s32 @p1 $0x1;
	p0 =	seq.s32 s7, s2  }
0x1e: {  	s7 =	smul.u32 @!p0 $0xF7A, s2;
	p2 =	seq.s32 @!p0 s5, $0x0  }
0x1f: {  	s9 =	smul.u32 $0xF7A, s1;
	s8 =	simm.s32 @!p0 $0x1BF5;
	p2 =	por !p2, p0  }
0x20: {  	[sflag:s8] =	ssyncset.s32 @!p0 $0xFFFFF086;
	s6 =	sadd.s32 @!p0 s3, s7;
	s7 =	simm.s32 @!p0 $0x108  }
0x21: {  	s3 =	sadd.s32 s3, s9;
	s6 =	sadd.s32 @!p0 $0x88, s6;
	s7 =	simm.s32 @p2 $0x1082  }
0x22: {  	[simem:s7], [sflag:s8] =	dma.local @!p0 [hbm:s6], $0xF7A  }
0x23: {  	s9 =	sor.u32 $0xD0000000, s2;
	s6 =	simm.s32 $0x108;
	_ =	swait.ge @!p0 [sflag:s8], $0x0  }
0x24: {  	s3 =	sadd.s32 $0x88, s3;
	s6 =	simm.s32 @!p1 $0x1082;
	[sflag:s4] =	ssyncset.s32 $0xFFFFF086  }
0x25: {  	[simem:s6], [sflag:s4] =	dma.local [hbm:s3], $0xF7A  }
0x26: {  	[smem:$0x3F97] =	sst s1;
	(tag) =	ssettag s2;
	_ =	strace s9  }
0x27: {  	s1 =	sld [smem:$0x3FA7]  }
0x28: {  	s2 =	sld [smem:$0x3FA8]  }
0x29: {  	s4 =	sld [smem:$0x3FAA]  }
0x2a: {  	p0 =	seq.s32 s5, $0x0;
	s5 =	sld [smem:$0x3FAB]  }
0x2b: {  	s6 =	sld [smem:$0x3FAC]  }
0x2c: {  	s7 =	sld [smem:$0x3FAD]  }
0x2d: {  	s3 =	simm.s32 $0x108;
	s8 =	sld [smem:$0x3FAE]  }
0x2e: {  	s3 =	simm.s32 @!p0 $0x1082;
	s9 =	sld [smem:$0x3FAF]  }
0x2f: {  	lr =	sadd.s32 s0, s3;
	s0 =	sld [smem:$0x3FA6]  }
0x30: {  	s3 =	sld [smem:$0x3FA9]  }
0x31: {  	[smem:$0x3FB2] =	sst s10  }
0x32: {  	s10 =	sld [smem:$0x3FB0];
	_ =	sdelay $0x3  }
0x33: {  	p0 =	seq.s32 s10, $0x1;
	s10 =	sld [smem:$0x3FB2];
	_ =	sdelay $0x3  }
0x34: {  	[smem:$0x3FB2] =	sst s10  }
0x35: {  	s10 =	sld [smem:$0x3FB1];
	_ =	sdelay $0x3  }
0x36: {  	p1 =	seq.s32 s10, $0x1;
	s10 =	sld [smem:$0x3FB2];
	_ =	sdelay $0x3  }
0x37: {  	[smem:$0x3FB2] =	sst s10  }
0x38: {  	s10 =	sld [smem:$0x3FB3]  }
0x39: {  	_ = 	snop;
	(pc) =	sbr.ind lr, $3  }
0x3a: {  	_ = 	snop  }
0x3b: {  	_ = 	snop  }
0x3c: {  	p2 =	seq.s32 s10, $0x1;
	s10 =	sld [smem:$0x3FB2]  }
0x3d: {  	_ =	shalt  }
0x3e: {  	_ =	shalt  }
0x3f: {  	_ =	shalt  }
0x40: {  	_ =	shalt  }
0x41: {  	_ =	shalt  }
0x42: {  	_ =	shalt  }
0x43: {  	_ =	shalt  }
0x44: {  	_ =	shalt  }
0x45: {  	_ =	shalt  }
0x46: {  	_ =	shalt  }
0x47: {  	_ =	shalt  }
0x48: {  	_ =	shalt  }
0x49: {  	_ =	shalt  }
0x4a: {  	_ =	shalt  }
0x4b: {  	_ =	shalt  }
0x4c: {  	_ =	shalt  }
0x4d: {  	_ =	shalt  }
0x4e: {  	_ =	shalt  }
0x4f: {  	_ =	shalt  }
0x50: {  	_ =	shalt  }
0x51: {  	_ =	shalt  }
0x52: {  	_ =	shalt  }
0x53: {  	_ =	shalt  }
0x54: {  	_ =	shalt  }
0x55: {  	_ =	shalt  }
0x56: {  	_ =	shalt  }
0x57: {  	_ =	shalt  }
0x58: {  	_ =	shalt  }
0x59: {  	_ =	shalt  }
0x5a: {  	_ =	shalt  }
0x5b: {  	_ =	shalt  }
0x5c: {  	_ =	shalt  }
0x5d: {  	_ =	shalt  }
0x5e: {  	_ =	shalt  }
0x5f: {  	_ =	shalt  }
0x60: {  	_ =	shalt  }
0x61: {  	_ =	shalt  }
0x62: {  	_ =	shalt  }
0x63: {  	_ =	shalt  }
0x64: {  	_ =	shalt  }
0x65: {  	_ =	shalt  }
0x66: {  	_ =	shalt  }
0x67: {  	_ =	shalt  }
0x68: {  	_ =	shalt  }
0x69: {  	_ =	shalt  }
0x6a: {  	_ =	shalt  }
0x6b: {  	_ =	shalt  }
0x6c: {  	_ =	shalt  }
0x6d: {  	_ =	shalt  }
0x6e: {  	_ =	shalt  }
0x6f: {  	_ =	shalt  }
0x70: {  	_ =	shalt  }
0x71: {  	_ =	shalt  }
0x72: {  	_ =	shalt  }
0x73: {  	_ =	shalt  }
0x74: {  	_ =	shalt  }
0x75: {  	_ =	shalt  }
0x76: {  	_ =	shalt  }
0x77: {  	_ =	shalt  }
0x78: {  	_ =	shalt  }
0x79: {  	_ =	shalt  }
0x7a: {  	_ =	shalt  }
0x7b: {  	_ =	shalt  }
0x7c: {  	_ =	shalt  }
0x7d: {  	_ =	shalt  }
0x7e: {  	_ =	shalt  }
0x7f: {  	_ =	shalt  }
0x80: {  	_ =	shalt  }
0x81: {  	_ =	shalt  }
0x82: {  	_ =	shalt  }
0x83: {  	_ =	shalt  }
0x84: {  	_ =	shalt  }
0x85: {  	_ =	shalt  }
0x86: {  	_ =	shalt  }
0x87: {  	_ =	shalt  }
.Lfunc_end0:
.L_simem_size_0:
called_computation.2_lowered:
.L_overlay_start_0:
0x88: {  	s2 =	sld [smem:$0x3FD9]  }
0x89: {  	s3 =	sld [smem:$0x3FFE];
	_ =	sdelay $0x1  }
0x8a: {  	s1 =	srdreg.scid  }
0x8b: {  	s0 =	sand.u32 $0x1, s1  }
0x8c: {  	s17 =	sshll.u32 s0, $0xA;
	s2 =	sadd.s32 s3, s2  }
0x8d: {  	s2 =	sadd.s32 s2, s17  }
0x8e: {  	[smem:$0x3FBE] =	sst s2  }
0x8f: {  	_ = 	snop  }
0x90: {  	s2 =	sld [smem:$0x3FD0];
	(tm) =	ssettm $0x1  }
0x91: {  	s18 =	sld [smem:$0x3FFB];
	_ =	sdelay $0x3  }
0x92: {  	_ =	strace s18  }
0x93: {  	s3 =	sld [smem:$0x3FFC];
	_ =	sdelay $0x3  }
0x94: {  	_ =	strace s3  }
0x95: {  	s3 =	sld [smem:$0x3FFD];
	_ =	sdelay $0x3  }
0x96: {  	_ =	strace s3  }
0x97: {  	_ =	strace $0x8FFFFFFF  }
0x98: {  	s19 =	sld [smem:$0x3FDB];
	_ =	sdelay $0x1  }
0x99: {  	s4 =	simm.s32 $_scs_section_size  }
0x9a: {  	s5 =	simm.s32 $_size__tile_overlayer_lowered;
	s6 =	simm.s32 $_tile_overlayer_lowered  }
0x9b: {  	s22 =	simm.s32 $0x1BFF;
	s21 =	sshll.u32 s6, $0x1;
	s3 =	sadd.s32 s4, s19  }
0x9c: {  	s7 =	simm.s32 $0x0;
	s20 =	sshll.u32 s5, $0x1;
	s5 =	sadd.s32 s21, s3  }
0x9d: {  	[timem:s7], [sflag:s22] =	dma.local [hbm:s5], s20  }
0x9e: {  	_ =	swait.ge [sflag:s22], s20  }
0x9f: {  	s4 =	ssub.s32 $0x0, s20;
	[sflag:s22] =	ssyncset.done $0x0  }
0xa0: {  	[sflag:s22] =	ssyncadd.s32 s4;
	_ =	sdelay $0x1  }
0xa1: {  	s23 =	simm.s32 $0x1B8B  }
0xa2: {  	_ =	swait.ge [sflag:s23], $0x1  }
0xa3: {  	[sflag:s23] =	ssyncset.done $0x0  }
0xa4: {  	s25 =	simm.s32 $0x1B8E;
	s24 =	sld [smem:$0x3FFE];
	[sflag:s23] =	ssyncadd.s32 $0xFFFFFFFF  }
0xa5: {  	s26 =	simm.s32 $execute0_lowered;
	[smem:$0x3FD2] =	sst s25  }
0xa6: {  	s5 =	sshll.u32 s26, $0x1;
	_ =	strace $0x8000004C;
	[dreg:$0x1] =	wrdreg $0xFFFFFFFF  }
0xa7: {  	s28 =	simm.s32 $_size_execute0_lowered;
	s3 =	sadd.s32 s3, s5;
	[dreg:$0x0] =	wrdreg $0x0  }
0xa8: {  	s5 =	sshll.u32 s28, $0x1;
	[dreg:$0x2] =	wrdreg s3  }
0xa9: {  	[dreg:$0x3] =	wrdreg s5  }
0xaa: {  	[dreg:$0x4] =	wrdreg $0xC0  }
0xab: {  	_ =	task [dreg:s7], $0x5FFFF  }
0xac: {  	[dreg:$0x1] =	wrdreg $0xFFFFFFFF  }
0xad: {  	[dreg:$0x0] =	wrdreg $0x60  }
0xae: {  	[dreg:$0x2] =	wrdreg s24  }
0xaf: {  	[dreg:$0x3] =	wrdreg s2  }
0xb0: {  	[dreg:$0x4] =	wrdreg $0x188000  }
0xb1: {  	[dreg:$0x5] =	wrdreg $0x9  }
0xb2: {  	_ =	task.clear_ibuf [dreg:s7], $0x6FFFF;
	_ =	strace $0x9000004C  }
0xb3: {  	s29 =	simm.s32 $0x9;
	_ =	strace $0x8000004E  }
0xb4: {  	_ =	swait.ge [sflag:s29], $0x1  }
0xb5: {  	[sflag:s29] =	ssyncadd.s32 $0xFFFFFFFF  }
0xb6: {  	_ =	strace $0x9000004E  }
0xb7: {  	_ =	sfence  }
0xb8: {  	s30 =	sld [smem:$0x0];
	_ =	sdelay $0x2  }
0xb9: {  	s31 =	sshll.u32 s1, $0xD;
	s1 =	sshrl.u32 s1, $0x2  }
0xba: {  	s3 =	sand.u32 $0x4000, s31;
	s1 =	sadd.s32 s1, s30  }
0xbb: {  	s0 =	sor.u32 s3, s0;
	s1 =	sshll.u32 s1, $0x11  }
0xbc: {  	s0 =	sor.u32 s1, s0  }
0xbd: {  	s0 =	sadd.s32 $0x8F2B, s0  }
0xbe: {  	[sflag:s0] =	ssyncadd.remote.s32 $0x1  }
0xbf: {  	_ =	sfence.sel $0xFFFF  }
0xc0: {  	[dreg:$0x0] =	wrdreg $0xFFFFFFFF;
	(pc) =	sbr.abs _section_cstart, $3  }
0xc1: {  	[dreg:$0x1] =	wrdreg $0xFFFFFFFF  }
0xc2: {  	_ =	task.clear_ibuf [dreg:s7], $0x2FFFF;
	_ =	strace $0x9FFFFFFF  }
0xc3: {  	(tm) =	ssettm $0x7FFFFFFF  }
tec
execute0_lowered:
.L_overlay_start_1:
0x0: {  	(tag) =	ssettag $0x1  }
0x1: {  	s4 =	rddreg [dreg:$0x0]  }
0x2: {  	s0 =	rddreg [dreg:$0x1]  }
0x3: {  	s1 =	srdreg.scid;
	s8 =	stileid.u32  }
0x4: {  	s2 =	rddreg [dreg:$0x2];
	s10 =	simm.s32 $0x4F00;
	s11 =	simm.s32 $0x3  }
0x5: {  	s12 =	simm.s32 $0x1;
	s13 =	simm.s32 $0x2;
	s14 =	simm.s32 $0xEB80  }
0x6: {  	s15 =	simm.s32 $0x80;
	s16 =	simm.s32 $0x400;
	s17 =	simm.s32 $0x0  }
0x7: {  	s5 =	sand.u32 $0x1, s1;
	s3 =	sshll.u32 s8, $0x1;
	s1 =	rddreg [dreg:$0x3]  }
0x8: {  	s7 =	sshrl.u32 s8, $0x2;
	p0 =	sne.s32 s8, $0x0;
	s8 =	simm.s32 $0x2780  }
0x9: {  	s6 =	sor.u32 s5, s3;
	s3 =	simm.s32 $0x0;
	s7 =	smul.u32 $0x4E400, s7  }
0xa: {  	s5 =	ssub.s32 $0x2, s5;
	s9 =	sshll.u32 s6, $0x7;
	s6 =	smul.u32 $0x2710, s6  }
0xb: {  	[smem:$0x7FF] =	sst s3;
	s31 =	sshrl.u32 s5, $0x1;
	s9 =	sand.u32 $0x380, s9  }
0xc: {  	_ =	strace $0x8000004D;
	s7 =	sor.u32 s7, s9;
	s6 =	sshrl.u32 s6, $0x3  }
0xd: {  	s9 =	ssub.s32 s5, s31;
	s7 =	sshrl.u32 s7, $0x3;
	s6 =	sadd.s32 s6, s4  }
0xe: {  	s7 =	sadd.s32 s7, s4;
	s4 =	sadd.s32 $0x3200, s6;
	s5 =	sadd.s32 $0xCE40, s6  }
0xf: {  	v0 =	vimm.f32 $0.0e+00;
	s6 =	sadd.s32 $0x16C00, s7;
	s7 =	smax.u32 s9, $0x1;
	s9 =	sshrl.u32 @!p0 s2, $0x3  }
.LBB2_1:
0x10: {  	[tilespmem:s3], [sflag:$0x1] =	stream.linear.gather [hbm4b:s4+s3], $0x2710, $0x38;
	[tilespmem:$0x191C8] =	vst v63  }
0x11: {  	s18 =	simm.s32 @!p0 $0x1C03  }
0x12: {  	[tilespmem:s8], [sflag:$0x2] =	stream.linear.gather [hbm4b:s5+s3], $0x2710, $0x38;
	[tilespmem:$0x191C8] =	vst v63  }
0x13: {  	[spmem:s9], [sflag:s18] =	dma.local @!p0 [hbm:s0], $0x1390  }
0x14: {  	s18 =	simm.s32 @!p0 $0x3  }
0x15: {  	_ =	swait.ge @!p0 [sflag:s18], $0x1390  }
0x16: {  	[sflag:s18] =	ssyncset.done @!p0 $0x0  }
0x17: {  	[sflag:s18] =	ssyncadd.s32 @!p0 $0xFFFFEC70;
	s18 =	simm.s32 $0xEBA0  }
0x18: {  	[tilespmem:s18+$0xFFFFFFE0] =	vst v0  }
0x19: {  	[tilespmem:s18+$0x20] =	vst v0  }
0x1a: {  	[tilespmem:s18+$0x10] =	vst v0  }
0x1b: {  	s19 =	simm.s32 $0x0;
	[tilespmem:s18+$0x0] =	vst v0  }
.LBB2_2:
0x1c: {  	s19 =	sadd.s32 $0x5, s19  }
0x1d: {  	[tilespmem:s18+$0xFFFFFFF0] =	vst v0;
	s18 =	sadd.s32 $0x50, s18;
	p1 =	slt.u32 s19, $0x9BF  }
.Ltmp0:
0x1e: {  	[tilespmem:s18+$0xFFFFFFE0] =	vst v0;
	(pc) =	sbr.rel @p1 .LBB2_2-.Ltmp0, $4  }
0x1f: {  	_ = 	snop  }
0x20: {  	[tilespmem:s18+$0x20] =	vst v0  }
0x21: {  	[tilespmem:s18+$0x10] =	vst v0  }
0x22: {  	[tilespmem:s18+$0x0] =	vst v0  }
0x23: {  	[tilespmem:s18+$0xFFFFFFF0] =	vst v0  }
0x24: {  	[bflag:$0x0] =	sbarrier.arrive $0xFFFF  }
0x25: {  	[tilespmem:s10], [sflag:$0x3] =	stream.linear.gather [spmem:s2], $0x9C80, $0x38;
	[tilespmem:$0x191C8] =	vst v63  }
0x26: {  	_ =	swait.ge [sflag:s11], $0x9C80  }
0x27: {  	[sflag:s11] =	ssyncset.done $0x0  }
0x28: {  	[sflag:s11] =	ssyncadd.s32 $0xFFFF6380  }
0x29: {  	_ =	swait.ge [sflag:s12], $0x2710  }
0x2a: {  	[sflag:s12] =	ssyncset.done $0x0  }
0x2b: {  	[sflag:s12] =	ssyncadd.s32 $0xFFFFD8F0  }
0x2c: {  	_ =	swait.ge [sflag:s13], $0x2710  }
0x2d: {  	[sflag:s13] =	ssyncset.done $0x0  }
0x2e: {  	s19 =	simm.s32 $0x20;
	[sflag:s13] =	ssyncadd.s32 $0xFFFFD8F0  }
0x2f: {  	v1 =	vld [tilespmem:s19+$0x20]  }
0x30: {  	v2 =	vld [tilespmem:s19+$0xFFFFFFF0]  }
0x31: {  	v3 =	vld [tilespmem:s19+$0x0]  }
0x32: {  	s18 =	simm.s32 $0x27A0;
	v4 =	vld [tilespmem:s19+$0xFFFFFFE0]  }
0x33: {  	v5 =	vld [tilespmem:s18+$0x20]  }
0x34: {  	v6 =	vld [tilespmem:s19+$0x10]  }
0x35: {  	v7 =	vld [tilespmem:s18+$0xFFFFFFE0]  }
0x36: {  	v13 =	vld [tilespmem:s18+$0xFFFFFFF0]  }
0x37: {  	v14 =	vld [tilespmem:s18+$0x0]  }
0x38: {  	v16 =	vld [tilespmem:s18+$0x10]  }
0x39: {  	v8 =	vld.idx.msk [tilespmem:v1+s10+$0x0], $0xffff  }
0x3a: {  	v12 =	vld.idx.msk [tilespmem:v4+s10+$0x0], $0xffff  }
0x3b: {  	v9 =	vld.idx.msk [tilespmem:v2+s10+$0x0], $0xffff  }
0x3c: {  	v10 =	vadd.s32 $0x2710, v1;
	v11 =	vld.idx.msk [tilespmem:v3+s10+$0x0], $0xffff  }
0x3d: {  	v18 =	vld.idx.msk [tilespmem:v6+s10+$0x0], $0xffff  }
0x3e: {  	[tilespmem:v5+s14+$0x0] =	vst.idx.add.f32.msk $0xffff, v8  }
0x3f: {  	v51 =	vadd.s32 $0x2710, v2;
	[tilespmem:v7+s14+$0x0] =	vst.idx.add.f32.msk $0xffff, v12  }
0x40: {  	v54 =	vadd.s32 $0x2710, v6;
	[tilespmem:v13+s14+$0x0] =	vst.idx.add.f32.msk $0xffff, v9  }
0x41: {  	v15 =	vadd.s32 $0x2710, v5;
	v10 =	vld.idx.msk [tilespmem:v10+s10+$0x0], $0xffff  }
0x42: {  	v17 =	vadd.s32 $0x4E20, v1;
	[tilespmem:v14+s14+$0x0] =	vst.idx.add.f32.msk $0xffff, v11  }
0x43: {  	v8 =	vadd.s32 $0x2710, v4;
	[tilespmem:v16+s14+$0x0] =	vst.idx.add.f32.msk $0xffff, v18  }
0x44: {  	v52 =	vadd.s32 $0x2710, v3;
	v12 =	vld.idx.msk [tilespmem:v51+s10+$0x0], $0xffff  }
0x45: {  	v56 =	vadd.s32 $0x2710, v13;
	v11 =	vld.idx.msk [tilespmem:v54+s10+$0x0], $0xffff  }
0x46: {  	v58 =	vadd.s32 $0x2710, v16;
	[tilespmem:v15+s14+$0x0] =	vst.idx.add.f32.msk $0xffff, v10  }
0x47: {  	v53 =	vadd.s32 $0x4E20, v5;
	v15 =	vld.idx.msk [tilespmem:v17+s10+$0x0], $0xffff  }
0x48: {  	v1 =	vadd.s32 $0x7530, v1;
	v8 =	vld.idx.msk [tilespmem:v8+s10+$0x0], $0xffff  }
0x49: {  	v55 =	vadd.s32 $0x2710, v7;
	v10 =	vld.idx.msk [tilespmem:v52+s10+$0x0], $0xffff  }
0x4a: {  	v19 =	vadd.s32 $0x2710, v14;
	[tilespmem:v56+s14+$0x0] =	vst.idx.add.f32.msk $0xffff, v12  }
0x4b: {  	v57 =	vadd.s32 $0x4E20, v4;
	[tilespmem:v58+s14+$0x0] =	vst.idx.add.f32.msk $0xffff, v11  }
0x4c: {  	v60 =	vadd.s32 $0x4E20, v6;
	[tilespmem:v53+s14+$0x0] =	vst.idx.add.f32.msk $0xffff, v15  }
0x4d: {  	v5 =	vadd.s32 $0x7530, v5;
	v1 =	vld.idx.msk [tilespmem:v1+s10+$0x0], $0xffff  }
0x4e: {  	[tilespmem:v55+s14+$0x0] =	vst.idx.add.f32.msk $0xffff, v8;
	v8 =	vadd.s32 $0x4E20, v2  }
0x4f: {  	v59 =	vadd.s32 $0x4E20, v3;
	[tilespmem:v19+s14+$0x0] =	vst.idx.add.f32.msk $0xffff, v10  }
0x50: {  	v61 =	vadd.s32 $0x4E20, v7;
	v9 =	vld.idx.msk [tilespmem:v57+s10+$0x0], $0xffff  }
0x51: {  	v63 =	vadd.s32 $0x4E20, v16;
	v10 =	vld.idx.msk [tilespmem:v60+s10+$0x0], $0xffff  }
0x52: {  	[tilespmem:v5+s14+$0x0] =	vst.idx.add.f32.msk $0xffff, v1;
	v1 =	vadd.s32 $0x7530, v4  }
0x53: {  	v4 =	vadd.s32 $0x4E20, v13;
	v5 =	vld.idx.msk [tilespmem:v8+s10+$0x0], $0xffff  }
0x54: {  	v62 =	vld.idx.msk [tilespmem:v59+s10+$0x0], $0xffff;
	v8 =	vadd.s32 $0x4E20, v14  }
0x55: {  	v2 =	vadd.s32 $0x7530, v2;
	[tilespmem:v61+s14+$0x0] =	vst.idx.add.f32.msk $0xffff, v9  }
0x56: {  	v3 =	vadd.s32 $0x7530, v3;
	[tilespmem:v63+s14+$0x0] =	vst.idx.add.f32.msk $0xffff, v10  }
0x57: {  	v9 =	vld.idx.msk [tilespmem:v1+s10+$0x0], $0xffff;
	v1 =	vadd.s32 $0x7530, v6  }
0x58: {  	v7 =	vadd.s32 $0x7530, v7;
	[tilespmem:v4+s14+$0x0] =	vst.idx.add.f32.msk $0xffff, v5  }
0x59: {  	[tilespmem:v8+s14+$0x0] =	vst.idx.add.f32.msk $0xffff, v62  }
0x5a: {  	v6 =	vld.idx.msk [tilespmem:v2+s10+$0x0], $0xffff  }
0x5b: {  	v5 =	vld.idx.msk [tilespmem:v3+s10+$0x0], $0xffff  }
0x5c: {  	v3 =	vld.idx.msk [tilespmem:v1+s10+$0x0], $0xffff  }
0x5d: {  	s20 =	simm.s32 $0x70;
	s19 =	simm.s32 $0x0;
	v4 =	vadd.s32 $0x7530, v13;
	v2 =	vadd.s32 $0x7530, v14;
	v1 =	vadd.s32 $0x7530, v16;
	[tilespmem:v7+s14+$0x0] =	vst.idx.add.f32.msk $0xffff, v9  }
.LBB2_4:
0x5e: {  	v7 =	vld [tilespmem:s20+$0x20];
	s19 =	sadd.s32 $0x5, s19  }
0x5f: {  	v8 =	vld [tilespmem:s20+$0xFFFFFFF0];
	p1 =	slt.u32 s19, $0x26C  }
0x60: {  	v9 =	vld [tilespmem:s20+$0x0]  }
0x61: {  	v10 =	vld [tilespmem:s20+$0x10]  }
0x62: {  	v11 =	vld [tilespmem:s20+$0xFFFFFFE0]  }
0x63: {  	s18 =	sadd.s32 $0x50, s18;
	[tilespmem:v4+s14+$0x0] =	vst.idx.add.f32.msk $0xffff, v6  }
0x64: {  	v6 =	vadd.s32 $0x2710, v8;
	v12 =	vadd.s32 $0x4E20, v8;
	v13 =	vadd.s32 $0x7530, v8;
	v14 =	vld [tilespmem:s18+$0x20]  }
0x65: {  	v4 =	vld [tilespmem:s18+$0xFFFFFFE0];
	v15 =	vadd.s32 $0x2710, v9;
	v16 =	vadd.s32 $0x4E20, v9;
	v17 =	vadd.s32 $0x7530, v9  }
0x66: {  	v18 =	vadd.s32 $0x2710, v10;
	v19 =	vadd.s32 $0x4E20, v10;
	v20 =	vadd.s32 $0x7530, v10;
	v21 =	vld.idx.msk [tilespmem:v7+s10+$0x0], $0xffff  }
0x67: {  	v22 =	vadd.s32 $0x2710, v11;
	v23 =	vadd.s32 $0x4E20, v11;
	v24 =	vadd.s32 $0x7530, v11;
	v8 =	vld.idx.msk [tilespmem:v8+s10+$0x0], $0xffff  }
0x68: {  	v25 =	vadd.s32 $0x2710, v7;
	v9 =	vld.idx.msk [tilespmem:v9+s10+$0x0], $0xffff  }
0x69: {  	v10 =	vld.idx.msk [tilespmem:v10+s10+$0x0], $0xffff  }
0x6a: {  	v11 =	vld.idx.msk [tilespmem:v11+s10+$0x0], $0xffff;
	v26 =	vadd.s32 $0x2710, v4;
	v27 =	vadd.s32 $0x4E20, v4;
	v28 =	vadd.s32 $0x7530, v4  }
0x6b: {  	v29 =	vld [tilespmem:s18+$0xFFFFFFF0]  }
0x6c: {  	[tilespmem:v14+s14+$0x0] =	vst.idx.add.f32.msk $0xffff, v21  }
0x6d: {  	v21 =	vld.idx.msk [tilespmem:v25+s10+$0x0], $0xffff  }
0x6e: {  	v30 =	vadd.s32 $0x2710, v14;
	v25 =	vld [tilespmem:s18+$0x0]  }
0x6f: {  	v32 =	vadd.s32 $0x4E20, v7;
	v31 =	vld [tilespmem:s18+$0x10]  }
0x70: {  	[tilespmem:v4+s14+$0x0] =	vst.idx.add.f32.msk $0xffff, v11;
	v11 =	vadd.s32 $0x2710, v29;
	v33 =	vadd.s32 $0x4E20, v29;
	v4 =	vadd.s32 $0x7530, v29  }
0x71: {  	v22 =	vld.idx.msk [tilespmem:v22+s10+$0x0], $0xffff  }
0x72: {  	[tilespmem:v2+s14+$0x0] =	vst.idx.add.f32.msk $0xffff, v5  }
0x73: {  	v5 =	vadd.s32 $0x2710, v25;
	v34 =	vadd.s32 $0x4E20, v25;
	v2 =	vadd.s32 $0x7530, v25;
	[tilespmem:v30+s14+$0x0] =	vst.idx.add.f32.msk $0xffff, v21  }
0x74: {  	v21 =	vadd.s32 $0x2710, v31;
	v30 =	vadd.s32 $0x4E20, v31;
	v35 =	vadd.s32 $0x7530, v31;
	v32 =	vld.idx.msk [tilespmem:v32+s10+$0x0], $0xffff  }
0x75: {  	[tilespmem:v29+s14+$0x0] =	vst.idx.add.f32.msk $0xffff, v8;
	v8 =	vadd.s32 $0x4E20, v14  }
0x76: {  	v7 =	vadd.s32 $0x7530, v7;
	[tilespmem:v25+s14+$0x0] =	vst.idx.add.f32.msk $0xffff, v9  }
0x77: {  	[tilespmem:v31+s14+$0x0] =	vst.idx.add.f32.msk $0xffff, v10  }
0x78: {  	v6 =	vld.idx.msk [tilespmem:v6+s10+$0x0], $0xffff  }
0x79: {  	v9 =	vld.idx.msk [tilespmem:v15+s10+$0x0], $0xffff  }
0x7a: {  	[tilespmem:v8+s14+$0x0] =	vst.idx.add.f32.msk $0xffff, v32  }
0x7b: {  	v7 =	vld.idx.msk [tilespmem:v7+s10+$0x0], $0xffff  }
0x7c: {  	v10 =	vadd.s32 $0x7530, v14;
	v8 =	vld.idx.msk [tilespmem:v18+s10+$0x0], $0xffff  }
0x7d: {  	[tilespmem:v26+s14+$0x0] =	vst.idx.add.f32.msk $0xffff, v22  }
0x7e: {  	[tilespmem:v11+s14+$0x0] =	vst.idx.add.f32.msk $0xffff, v6  }
0x7f: {  	[tilespmem:v5+s14+$0x0] =	vst.idx.add.f32.msk $0xffff, v9  }
0x80: {  	v5 =	vld.idx.msk [tilespmem:v23+s10+$0x0], $0xffff  }
0x81: {  	[tilespmem:v10+s14+$0x0] =	vst.idx.add.f32.msk $0xffff, v7  }
0x82: {  	[tilespmem:v21+s14+$0x0] =	vst.idx.add.f32.msk $0xffff, v8  }
0x83: {  	v6 =	vld.idx.msk [tilespmem:v12+s10+$0x0], $0xffff  }
0x84: {  	v7 =	vld.idx.msk [tilespmem:v16+s10+$0x0], $0xffff  }
0x85: {  	v8 =	vld.idx.msk [tilespmem:v19+s10+$0x0], $0xffff  }
0x86: {  	[tilespmem:v27+s14+$0x0] =	vst.idx.add.f32.msk $0xffff, v5  }
0x87: {  	v9 =	vld.idx.msk [tilespmem:v24+s10+$0x0], $0xffff  }
0x88: {  	[tilespmem:v1+s14+$0x0] =	vst.idx.add.f32.msk $0xffff, v3;
	v1 =	vmov v35  }
0x89: {  	[tilespmem:v33+s14+$0x0] =	vst.idx.add.f32.msk $0xffff, v6  }
0x8a: {  	[tilespmem:v34+s14+$0x0] =	vst.idx.add.f32.msk $0xffff, v7  }
.Ltmp1:
0x8b: {  	[tilespmem:v30+s14+$0x0] =	vst.idx.add.f32.msk $0xffff, v8;
	(pc) =	sbr.rel @p1 .LBB2_4-.Ltmp1, $4  }
0x8c: {  	v6 =	vld.idx.msk [tilespmem:v13+s10+$0x0], $0xffff  }
0x8d: {  	v5 =	vld.idx.msk [tilespmem:v17+s10+$0x0], $0xffff  }
0x8e: {  	v3 =	vld.idx.msk [tilespmem:v20+s10+$0x0], $0xffff  }
0x8f: {  	s20 =	sadd.s32 $0x50, s20;
	[tilespmem:v28+s14+$0x0] =	vst.idx.add.f32.msk $0xffff, v9  }
0x90: {  	_ =	sdelay $0x3  }
0x91: {  	s17 =	sadd.s32 $0x1, s17;
	[tilespmem:v4+s14+$0x0] =	vst.idx.add.f32.msk $0xffff, v6  }
0x92: {  	p1 =	sne.s32 s17, s7;
	[tilespmem:v2+s14+$0x0] =	vst.idx.add.f32.msk $0xffff, v5  }
.Ltmp2:
0x93: {  	[tilespmem:v1+s14+$0x0] =	vst.idx.add.f32.msk $0xffff, v3;
	(pc) =	sbr.rel @p1 .LBB2_1-.Ltmp2, $4  }
0x94: {  	[hbm4b:s6+s15] =	stream.strided.scatter [tilespmem:s14], [sflag:$0x3], $0x9C80, s16, s15, $0x38;
	[tilespmem:$0x191C8] =	vst v63  }
0x95: {  	_ =	swait.ge [sflag:s11], $0x9C80  }
0x96: {  	[sflag:s11] =	ssyncset.done $0x0  }
0x97: {  	[sflag:s11] =	ssyncadd.s32 $0xFFFF6380  }
0x98: {  	_ =	sfence.sel $0x180000  }
0x99: {  	[bflag:$0x0] =	sbarrier.arrive $0xFFFF  }
0x9a: {  	_ =	strace $0x9000004D  }
0x9b: {  	s0 =	sadd.s32 @!p0 $0x100000, s1;
	[bflag:$0x2] =	sbarrier.arrive $0xFFFF  }
0x9c: {  	[sflag:s0] =	ssyncadd.tile.s32 @!p0 $0x1;
	_ =	shalt  }
.Lfunc_end2:
_tile_overlayer_lowered:
.L_overlay_start_2:
0x9d: {  	(tag) =	ssettag $0x2  }
0x9e: {  	s0 =	rddreg [dreg:$0x0];
	s2 =	stileid.u32  }
0x9f: {  	s1 =	rddreg [dreg:$0x1];
	p0 =	sne.s32 s2, $0x0  }
0xa0: {  	s3 =	rddreg [dreg:$0x2];
	[bflag:$0x3] =	sbarrier.arrive $0xFFFF;
	s2 =	simm.s32 @!p0 $0x1C03  }
0xa1: {  	[timem:s3], [sflag:s2] =	dma.local @!p0 [hbm:s0], s1  }
0xa2: {  	s0 =	simm.s32 @!p0 $0x3  }
0xa3: {  	_ =	swait.ge @!p0 [sflag:s0], s1  }
0xa4: {  	s1 =	ssub.s32 @!p0 $0x0, s1;
	[sflag:s0] =	ssyncset.done @!p0 $0x0  }
0xa5: {  	[sflag:s0] =	ssyncadd.s32 @!p0 s1  }
0xa6: {  	[bflag:$0x3] =	sbarrier.arrive $0xFFFF  }
0xa7: {  	_ =	shalt  }

// kernel: kernel.20.cloned.1.call-start
scs
__scs_entry_jumppad:
0x0: {  	(pc) =	sbr.rel $0x88, $3  }
0x1: {  	(tag) =	ssettag $0x0;
	lr =	simm.s32 $0x1  }
0x2: {  	[smem:$0x3F97] =	sst lr;
	_ =	strace $0xD0000000  }
0x3: {  	_ = 	snop  }
0x4: {  	_ = 	snop  }
0x5: {  	_ = 	snop  }
0x6: {  	_ = 	snop  }
0x7: {  	_ = 	snop  }
__scs_overlays_trampoline_lowered:
0x8: {  	[smem:$0x3FA6] =	sst s0  }
0x9: {  	[smem:$0x3FA7] =	sst s1  }
0xa: {  	[smem:$0x3FA8] =	sst s2  }
0xb: {  	[smem:$0x3FA9] =	sst s3  }
0xc: {  	[smem:$0x3FAA] =	sst s4  }
0xd: {  	[smem:$0x3FAB] =	sst s5  }
0xe: {  	[smem:$0x3FAC] =	sst s6  }
0xf: {  	[smem:$0x3FAD] =	sst s7  }
0x10: {  	[smem:$0x3FAE] =	sst s8  }
0x11: {  	[smem:$0x3FAF] =	sst s9;
	s0 =	simm.s32 @!p0 $0x0  }
0x12: {  	s1 =	sld [smem:$0x3F95];
	s0 =	simm.s32 @p0 $0x1  }
0x13: {  	[smem:$0x3FB0] =	sst s0;
	s0 =	simm.s32 @!p1 $0x0  }
0x14: {  	s2 =	sld [smem:$0x3F94];
	s0 =	simm.s32 @p1 $0x1  }
0x15: {  	[smem:$0x3FB1] =	sst s0;
	s0 =	simm.s32 @!p2 $0x0  }
0x16: {  	s3 =	sld [smem:$0x3FDB];
	s0 =	simm.s32 @p2 $0x1  }
0x17: {  	s4 =	simm.s32 $0x1BF5;
	[smem:$0x3FB3] =	sst s0  }
0x18: {  	s0 =	sld [smem:$0x3F96];
	_ =	swait.ge [sflag:s4], $0x0  }
0x19: {  	s7 =	sld [smem:$0x3F97]  }
0x1a: {  	s8 =	sadd.s32 $0xFFFFE003, lr  }
0x1b: {  	s9 =	sadd.s32 $0xFFFFFEF7, lr;
	s5 =	simm.s32 $0xFFFFFFFF;
	p2 =	slt.u32 s8, $0xFFFFF086  }
0x1c: {  	p1 =	slt.u32 s9, $0xF7A;
	s5 =	simm.s32 @!p2 $0x0  }
0x1d: {  	s5 =	simm.s32 @p1 $0x1;
	p0 =	seq.s32 s7, s2  }
0x1e: {  	s7 =	smul.u32 @!p0 $0xF7A, s2;
	p2 =	seq.s32 @!p0 s5, $0x0  }
0x1f: {  	s9 =	smul.u32 $0xF7A, s1;
	s8 =	simm.s32 @!p0 $0x1BF5;
	p2 =	por !p2, p0  }
0x20: {  	[sflag:s8] =	ssyncset.s32 @!p0 $0xFFFFF086;
	s6 =	sadd.s32 @!p0 s3, s7;
	s7 =	simm.s32 @!p0 $0x108  }
0x21: {  	s3 =	sadd.s32 s3, s9;
	s6 =	sadd.s32 @!p0 $0x88, s6;
	s7 =	simm.s32 @p2 $0x1082  }
0x22: {  	[simem:s7], [sflag:s8] =	dma.local @!p0 [hbm:s6], $0xF7A  }
0x23: {  	s9 =	sor.u32 $0xD0000000, s2;
	s6 =	simm.s32 $0x108;
	_ =	swait.ge @!p0 [sflag:s8], $0x0  }
0x24: {  	s3 =	sadd.s32 $0x88, s3;
	s6 =	simm.s32 @!p1 $0x1082;
	[sflag:s4] =	ssyncset.s32 $0xFFFFF086  }
0x25: {  	[simem:s6], [sflag:s4] =	dma.local [hbm:s3], $0xF7A  }
0x26: {  	[smem:$0x3F97] =	sst s1;
	(tag) =	ssettag s2;
	_ =	strace s9  }
0x27: {  	s1 =	sld [smem:$0x3FA7]  }
0x28: {  	s2 =	sld [smem:$0x3FA8]  }
0x29: {  	s4 =	sld [smem:$0x3FAA]  }
0x2a: {  	p0 =	seq.s32 s5, $0x0;
	s5 =	sld [smem:$0x3FAB]  }
0x2b: {  	s6 =	sld [smem:$0x3FAC]  }
0x2c: {  	s7 =	sld [smem:$0x3FAD]  }
0x2d: {  	s3 =	simm.s32 $0x108;
	s8 =	sld [smem:$0x3FAE]  }
0x2e: {  	s3 =	simm.s32 @!p0 $0x1082;
	s9 =	sld [smem:$0x3FAF]  }
0x2f: {  	lr =	sadd.s32 s0, s3;
	s0 =	sld [smem:$0x3FA6]  }
0x30: {  	s3 =	sld [smem:$0x3FA9]  }
0x31: {  	[smem:$0x3FB2] =	sst s10  }
0x32: {  	s10 =	sld [smem:$0x3FB0];
	_ =	sdelay $0x3  }
0x33: {  	p0 =	seq.s32 s10, $0x1;
	s10 =	sld [smem:$0x3FB2];
	_ =	sdelay $0x3  }
0x34: {  	[smem:$0x3FB2] =	sst s10  }
0x35: {  	s10 =	sld [smem:$0x3FB1];
	_ =	sdelay $0x3  }
0x36: {  	p1 =	seq.s32 s10, $0x1;
	s10 =	sld [smem:$0x3FB2];
	_ =	sdelay $0x3  }
0x37: {  	[smem:$0x3FB2] =	sst s10  }
0x38: {  	s10 =	sld [smem:$0x3FB3]  }
0x39: {  	_ = 	snop;
	(pc) =	sbr.ind lr, $3  }
0x3a: {  	_ = 	snop  }
0x3b: {  	_ = 	snop  }
0x3c: {  	p2 =	seq.s32 s10, $0x1;
	s10 =	sld [smem:$0x3FB2]  }
0x3d: {  	_ =	shalt  }
0x3e: {  	_ =	shalt  }
0x3f: {  	_ =	shalt  }
0x40: {  	_ =	shalt  }
0x41: {  	_ =	shalt  }
0x42: {  	_ =	shalt  }
0x43: {  	_ =	shalt  }
0x44: {  	_ =	shalt  }
0x45: {  	_ =	shalt  }
0x46: {  	_ =	shalt  }
0x47: {  	_ =	shalt  }
0x48: {  	_ =	shalt  }
0x49: {  	_ =	shalt  }
0x4a: {  	_ =	shalt  }
0x4b: {  	_ =	shalt  }
0x4c: {  	_ =	shalt  }
0x4d: {  	_ =	shalt  }
0x4e: {  	_ =	shalt  }
0x4f: {  	_ =	shalt  }
0x50: {  	_ =	shalt  }
0x51: {  	_ =	shalt  }
0x52: {  	_ =	shalt  }
0x53: {  	_ =	shalt  }
0x54: {  	_ =	shalt  }
0x55: {  	_ =	shalt  }
0x56: {  	_ =	shalt  }
0x57: {  	_ =	shalt  }
0x58: {  	_ =	shalt  }
0x59: {  	_ =	shalt  }
0x5a: {  	_ =	shalt  }
0x5b: {  	_ =	shalt  }
0x5c: {  	_ =	shalt  }
0x5d: {  	_ =	shalt  }
0x5e: {  	_ =	shalt  }
0x5f: {  	_ =	shalt  }
0x60: {  	_ =	shalt  }
0x61: {  	_ =	shalt  }
0x62: {  	_ =	shalt  }
0x63: {  	_ =	shalt  }
0x64: {  	_ =	shalt  }
0x65: {  	_ =	shalt  }
0x66: {  	_ =	shalt  }
0x67: {  	_ =	shalt  }
0x68: {  	_ =	shalt  }
0x69: {  	_ =	shalt  }
0x6a: {  	_ =	shalt  }
0x6b: {  	_ =	shalt  }
0x6c: {  	_ =	shalt  }
0x6d: {  	_ =	shalt  }
0x6e: {  	_ =	shalt  }
0x6f: {  	_ =	shalt  }
0x70: {  	_ =	shalt  }
0x71: {  	_ =	shalt  }
0x72: {  	_ =	shalt  }
0x73: {  	_ =	shalt  }
0x74: {  	_ =	shalt  }
0x75: {  	_ =	shalt  }
0x76: {  	_ =	shalt  }
0x77: {  	_ =	shalt  }
0x78: {  	_ =	shalt  }
0x79: {  	_ =	shalt  }
0x7a: {  	_ =	shalt  }
0x7b: {  	_ =	shalt  }
0x7c: {  	_ =	shalt  }
0x7d: {  	_ =	shalt  }
0x7e: {  	_ =	shalt  }
0x7f: {  	_ =	shalt  }
0x80: {  	_ =	shalt  }
0x81: {  	_ =	shalt  }
0x82: {  	_ =	shalt  }
0x83: {  	_ =	shalt  }
0x84: {  	_ =	shalt  }
0x85: {  	_ =	shalt  }
0x86: {  	_ =	shalt  }
0x87: {  	_ =	shalt  }
.Lfunc_end0:
.L_simem_size_0:
called_computation.3_lowered:
.L_overlay_start_0:
0x88: {  	s2 =	sld [smem:$0x3FD9]  }
0x89: {  	s3 =	sld [smem:$0x3FFE];
	_ =	sdelay $0x1  }
0x8a: {  	s1 =	srdreg.scid  }
0x8b: {  	s0 =	sand.u32 $0x1, s1  }
0x8c: {  	s17 =	sshll.u32 s0, $0xA;
	s2 =	sadd.s32 s3, s2  }
0x8d: {  	s2 =	sadd.s32 s2, s17  }
0x8e: {  	[smem:$0x3FBE] =	sst s2  }
0x8f: {  	_ = 	snop  }
0x90: {  	s2 =	sld [smem:$0x3FD0];
	(tm) =	ssettm $0x1  }
0x91: {  	s18 =	sld [smem:$0x3FFB];
	_ =	sdelay $0x3  }
0x92: {  	_ =	strace s18  }
0x93: {  	s3 =	sld [smem:$0x3FFC];
	_ =	sdelay $0x3  }
0x94: {  	_ =	strace s3  }
0x95: {  	s3 =	sld [smem:$0x3FFD];
	_ =	sdelay $0x3  }
0x96: {  	_ =	strace s3  }
0x97: {  	_ =	strace $0x8FFFFFFF  }
0x98: {  	s19 =	sld [smem:$0x3FDB];
	_ =	sdelay $0x1  }
0x99: {  	s4 =	simm.s32 $_scs_section_size  }
0x9a: {  	s5 =	simm.s32 $_size__tile_overlayer_lowered;
	s6 =	simm.s32 $_tile_overlayer_lowered  }
0x9b: {  	s22 =	simm.s32 $0x1BFF;
	s21 =	sshll.u32 s6, $0x1;
	s3 =	sadd.s32 s4, s19  }
0x9c: {  	s7 =	simm.s32 $0x0;
	s20 =	sshll.u32 s5, $0x1;
	s5 =	sadd.s32 s21, s3  }
0x9d: {  	[timem:s7], [sflag:s22] =	dma.local [hbm:s5], s20  }
0x9e: {  	_ =	swait.ge [sflag:s22], s20  }
0x9f: {  	s4 =	ssub.s32 $0x0, s20;
	[sflag:s22] =	ssyncset.done $0x0  }
0xa0: {  	[sflag:s22] =	ssyncadd.s32 s4;
	_ =	sdelay $0x1  }
0xa1: {  	s23 =	simm.s32 $0x1B8B  }
0xa2: {  	_ =	swait.ge [sflag:s23], $0x1  }
0xa3: {  	[sflag:s23] =	ssyncset.done $0x0  }
0xa4: {  	s25 =	simm.s32 $0x1B8E;
	s24 =	sld [smem:$0x3FFE];
	[sflag:s23] =	ssyncadd.s32 $0xFFFFFFFF  }
0xa5: {  	s26 =	simm.s32 $execute0_lowered;
	[smem:$0x3FD2] =	sst s25  }
0xa6: {  	s5 =	sshll.u32 s26, $0x1;
	_ =	strace $0x8000004F;
	[dreg:$0x1] =	wrdreg $0xFFFFFFFF  }
0xa7: {  	s28 =	simm.s32 $_size_execute0_lowered;
	s3 =	sadd.s32 s3, s5;
	[dreg:$0x0] =	wrdreg $0x0  }
0xa8: {  	s5 =	sshll.u32 s28, $0x1;
	[dreg:$0x2] =	wrdreg s3  }
0xa9: {  	[dreg:$0x3] =	wrdreg s5  }
0xaa: {  	[dreg:$0x4] =	wrdreg $0xC0  }
0xab: {  	_ =	task [dreg:s7], $0x5FFFF  }
0xac: {  	[dreg:$0x1] =	wrdreg $0xFFFFFFFF  }
0xad: {  	[dreg:$0x0] =	wrdreg $0x60  }
0xae: {  	[dreg:$0x2] =	wrdreg s24  }
0xaf: {  	[dreg:$0x3] =	wrdreg s2  }
0xb0: {  	[dreg:$0x4] =	wrdreg $0xEC000  }
0xb1: {  	[dreg:$0x5] =	wrdreg $0x9  }
0xb2: {  	_ =	task.clear_ibuf [dreg:s7], $0x6FFFF;
	_ =	strace $0x9000004F  }
0xb3: {  	s29 =	simm.s32 $0x9;
	_ =	strace $0x80000051  }
0xb4: {  	_ =	swait.ge [sflag:s29], $0x1  }
0xb5: {  	[sflag:s29] =	ssyncadd.s32 $0xFFFFFFFF  }
0xb6: {  	_ =	strace $0x90000051  }
0xb7: {  	_ =	sfence  }
0xb8: {  	s30 =	sld [smem:$0x0];
	_ =	sdelay $0x2  }
0xb9: {  	s31 =	sshll.u32 s1, $0xD;
	s1 =	sshrl.u32 s1, $0x2  }
0xba: {  	s3 =	sand.u32 $0x4000, s31;
	s1 =	sadd.s32 s1, s30  }
0xbb: {  	s0 =	sor.u32 s3, s0;
	s1 =	sshll.u32 s1, $0x11  }
0xbc: {  	s0 =	sor.u32 s1, s0  }
0xbd: {  	s0 =	sadd.s32 $0x8F2B, s0  }
0xbe: {  	[sflag:s0] =	ssyncadd.remote.s32 $0x1  }
0xbf: {  	_ =	sfence.sel $0xFFFF  }
0xc0: {  	[dreg:$0x0] =	wrdreg $0xFFFFFFFF;
	(pc) =	sbr.abs _section_cstart, $3  }
0xc1: {  	[dreg:$0x1] =	wrdreg $0xFFFFFFFF  }
0xc2: {  	_ =	task.clear_ibuf [dreg:s7], $0x2FFFF;
	_ =	strace $0x9FFFFFFF  }
0xc3: {  	(tm) =	ssettm $0x7FFFFFFF  }
tec
execute0_lowered:
.L_overlay_start_1:
0x0: {  	(tag) =	ssettag $0x1  }
0x1: {  	s4 =	rddreg [dreg:$0x0]  }
0x2: {  	s0 =	rddreg [dreg:$0x1]  }
0x3: {  	s1 =	srdreg.scid;
	s8 =	stileid.u32  }
0x4: {  	s2 =	rddreg [dreg:$0x2];
	s10 =	simm.s32 $0x4F00;
	s11 =	simm.s32 $0x3  }
0x5: {  	s12 =	simm.s32 $0x1;
	s13 =	simm.s32 $0x2;
	s14 =	simm.s32 $0x9D80  }
0x6: {  	s15 =	simm.s32 $0x80;
	s16 =	simm.s32 $0x400;
	s17 =	simm.s32 $0x0  }
0x7: {  	s5 =	sand.u32 $0x1, s1;
	s3 =	sshll.u32 s8, $0x1;
	s1 =	rddreg [dreg:$0x3]  }
0x8: {  	s7 =	sshrl.u32 s8, $0x2;
	p0 =	sne.s32 s8, $0x0;
	s8 =	simm.s32 $0x2780  }
0x9: {  	s6 =	sor.u32 s5, s3;
	s3 =	simm.s32 $0x0;
	s7 =	smul.u32 $0x27400, s7  }
0xa: {  	s5 =	ssub.s32 $0x2, s5;
	s9 =	sshll.u32 s6, $0x7;
	s6 =	smul.u32 $0x2710, s6  }
0xb: {  	[smem:$0x7FF] =	sst s3;
	s31 =	sshrl.u32 s5, $0x1;
	s9 =	sand.u32 $0x380, s9  }
0xc: {  	_ =	strace $0x80000050;
	s7 =	sor.u32 s7, s9;
	s6 =	sshrl.u32 s6, $0x3  }
0xd: {  	s9 =	ssub.s32 s5, s31;
	s7 =	sshrl.u32 s7, $0x3;
	s6 =	sadd.s32 s6, s4  }
0xe: {  	s7 =	sadd.s32 s7, s4;
	s4 =	sadd.s32 $0x3200, s6;
	s5 =	sadd.s32 $0xCE40, s6  }
0xf: {  	v0 =	vimm.f32 $0.0e+00;
	s6 =	sadd.s32 $0x16C00, s7;
	s7 =	smax.u32 s9, $0x1;
	s9 =	sshrl.u32 @!p0 s2, $0x3  }
.LBB2_1:
0x10: {  	[tilespmem:s3], [sflag:$0x1] =	stream.linear.gather [hbm4b:s4+s3], $0x2710, $0x38;
	[tilespmem:$0xF0E8] =	vst v63  }
0x11: {  	s18 =	simm.s32 @!p0 $0x1C03  }
0x12: {  	[tilespmem:s8], [sflag:$0x2] =	stream.linear.gather [hbm4b:s5+s3], $0x2710, $0x38;
	[tilespmem:$0xF0E8] =	vst v63  }
0x13: {  	[spmem:s9], [sflag:s18] =	dma.local @!p0 [hbm:s0], $0x9D0  }
0x14: {  	s18 =	simm.s32 @!p0 $0x3  }
0x15: {  	_ =	swait.ge @!p0 [sflag:s18], $0x9D0  }
0x16: {  	[sflag:s18] =	ssyncset.done @!p0 $0x0  }
0x17: {  	[sflag:s18] =	ssyncadd.s32 @!p0 $0xFFFFF630;
	s18 =	simm.s32 $0x9DA0  }
0x18: {  	[tilespmem:s18+$0xFFFFFFE0] =	vst v0  }
0x19: {  	[tilespmem:s18+$0x20] =	vst v0  }
0x1a: {  	[tilespmem:s18+$0x10] =	vst v0  }
0x1b: {  	s19 =	simm.s32 $0x0;
	[tilespmem:s18+$0x0] =	vst v0  }
.LBB2_2:
0x1c: {  	s19 =	sadd.s32 $0x5, s19  }
0x1d: {  	[tilespmem:s18+$0xFFFFFFF0] =	vst v0;
	s18 =	sadd.s32 $0x50, s18;
	p1 =	slt.u32 s19, $0x4DD  }
.Ltmp0:
0x1e: {  	[tilespmem:s18+$0xFFFFFFE0] =	vst v0;
	(pc) =	sbr.rel @p1 .LBB2_2-.Ltmp0, $4  }
0x1f: {  	_ = 	snop  }
0x20: {  	[tilespmem:s18+$0x20] =	vst v0  }
0x21: {  	[tilespmem:s18+$0x10] =	vst v0  }
0x22: {  	[tilespmem:s18+$0x0] =	vst v0  }
0x23: {  	[tilespmem:s18+$0xFFFFFFF0] =	vst v0  }
0x24: {  	[bflag:$0x0] =	sbarrier.arrive $0xFFFF  }
0x25: {  	[tilespmem:s10], [sflag:$0x3] =	stream.linear.gather [spmem:s2], $0x4E80, $0x38;
	[tilespmem:$0xF0E8] =	vst v63  }
0x26: {  	_ =	swait.ge [sflag:s11], $0x4E80  }
0x27: {  	[sflag:s11] =	ssyncset.done $0x0  }
0x28: {  	[sflag:s11] =	ssyncadd.s32 $0xFFFFB180  }
0x29: {  	_ =	swait.ge [sflag:s12], $0x2710  }
0x2a: {  	[sflag:s12] =	ssyncset.done $0x0  }
0x2b: {  	[sflag:s12] =	ssyncadd.s32 $0xFFFFD8F0  }
0x2c: {  	_ =	swait.ge [sflag:s13], $0x2710  }
0x2d: {  	[sflag:s13] =	ssyncset.done $0x0  }
0x2e: {  	s19 =	simm.s32 $0x20;
	[sflag:s13] =	ssyncadd.s32 $0xFFFFD8F0  }
0x2f: {  	v1 =	vld [tilespmem:s19+$0x20]  }
0x30: {  	v2 =	vld [tilespmem:s19+$0xFFFFFFF0]  }
0x31: {  	v3 =	vld [tilespmem:s19+$0x0]  }
0x32: {  	s18 =	simm.s32 $0x27A0;
	v4 =	vld [tilespmem:s19+$0xFFFFFFE0]  }
0x33: {  	v5 =	vld [tilespmem:s18+$0x20]  }
0x34: {  	v6 =	vld [tilespmem:s19+$0x10]  }
0x35: {  	v7 =	vld [tilespmem:s18+$0xFFFFFFE0]  }
0x36: {  	v12 =	vld [tilespmem:s18+$0xFFFFFFF0]  }
0x37: {  	v63 =	vld [tilespmem:s18+$0x0]  }
0x38: {  	v8 =	vld.idx.msk [tilespmem:v1+s10+$0x0], $0xffff  }
0x39: {  	v13 =	vld [tilespmem:s18+$0x10];
	v1 =	vadd.s32 $0x2710, v1  }
0x3a: {  	v9 =	vld.idx.msk [tilespmem:v2+s10+$0x0], $0xffff  }
0x3b: {  	v11 =	vld.idx.msk [tilespmem:v4+s10+$0x0], $0xffff  }
0x3c: {  	v10 =	vld.idx.msk [tilespmem:v3+s10+$0x0], $0xffff  }
0x3d: {  	[tilespmem:v5+s14+$0x0] =	vst.idx.add.f32.msk $0xffff, v8  }
0x3e: {  	v5 =	vadd.s32 $0x2710, v5;
	v1 =	vld.idx.msk [tilespmem:v1+s10+$0x0], $0xffff  }
0x3f: {  	v4 =	vadd.s32 $0x2710, v4;
	v14 =	vld.idx.msk [tilespmem:v6+s10+$0x0], $0xffff  }
0x40: {  	v2 =	vadd.s32 $0x2710, v2;
	[tilespmem:v7+s14+$0x0] =	vst.idx.add.f32.msk $0xffff, v11  }
0x41: {  	[tilespmem:v12+s14+$0x0] =	vst.idx.add.f32.msk $0xffff, v9  }
0x42: {  	v3 =	vadd.s32 $0x2710, v3;
	[tilespmem:v63+s14+$0x0] =	vst.idx.add.f32.msk $0xffff, v10  }
0x43: {  	[tilespmem:v5+s14+$0x0] =	vst.idx.add.f32.msk $0xffff, v1;
	v1 =	vadd.s32 $0x2710, v6  }
0x44: {  	v11 =	vld.idx.msk [tilespmem:v4+s10+$0x0], $0xffff;
	v5 =	vadd.s32 $0x2710, v7  }
0x45: {  	v6 =	vld.idx.msk [tilespmem:v2+s10+$0x0], $0xffff;
	v7 =	vadd.s32 $0x2710, v12  }
0x46: {  	[tilespmem:v13+s14+$0x0] =	vst.idx.add.f32.msk $0xffff, v14  }
0x47: {  	v4 =	vld.idx.msk [tilespmem:v3+s10+$0x0], $0xffff  }
0x48: {  	v2 =	vld.idx.msk [tilespmem:v1+s10+$0x0], $0xffff  }
0x49: {  	[tilespmem:v5+s14+$0x0] =	vst.idx.add.f32.msk $0xffff, v11  }
0x4a: {  	s20 =	simm.s32 $0x70;
	s19 =	simm.s32 $0x0;
	v3 =	vadd.s32 $0x2710, v63;
	v1 =	vadd.s32 $0x2710, v13;
	[tilespmem:v7+s14+$0x0] =	vst.idx.add.f32.msk $0xffff, v6  }
.LBB2_4:
0x4b: {  	v5 =	vld [tilespmem:s20+$0x20];
	s19 =	sadd.s32 $0x5, s19  }
0x4c: {  	v6 =	vld [tilespmem:s20+$0xFFFFFFF0];
	p1 =	slt.u32 s19, $0x26C  }
0x4d: {  	v7 =	vld [tilespmem:s20+$0x0]  }
0x4e: {  	v8 =	vld [tilespmem:s20+$0x10]  }
0x4f: {  	v9 =	vld [tilespmem:s20+$0xFFFFFFE0]  }
0x50: {  	s18 =	sadd.s32 $0x50, s18;
	[tilespmem:v3+s14+$0x0] =	vst.idx.add.f32.msk $0xffff, v4  }
0x51: {  	v4 =	vadd.s32 $0x2710, v6;
	v3 =	vld [tilespmem:s18+$0x20]  }
0x52: {  	v10 =	vld [tilespmem:s18+$0xFFFFFFE0];
	v11 =	vadd.s32 $0x2710, v7  }
0x53: {  	v12 =	vadd.s32 $0x2710, v8;
	v13 =	vld.idx.msk [tilespmem:v5+s10+$0x0], $0xffff  }
0x54: {  	v14 =	vadd.s32 $0x2710, v9;
	v6 =	vld.idx.msk [tilespmem:v6+s10+$0x0], $0xffff  }
0x55: {  	v5 =	vadd.s32 $0x2710, v5;
	v7 =	vld.idx.msk [tilespmem:v7+s10+$0x0], $0xffff  }
0x56: {  	v8 =	vld.idx.msk [tilespmem:v8+s10+$0x0], $0xffff  }
0x57: {  	v9 =	vld.idx.msk [tilespmem:v9+s10+$0x0], $0xffff;
	v15 =	vadd.s32 $0x2710, v10  }
0x58: {  	v16 =	vld [tilespmem:s18+$0xFFFFFFF0]  }
0x59: {  	[tilespmem:v3+s14+$0x0] =	vst.idx.add.f32.msk $0xffff, v13  }
0x5a: {  	v5 =	vld.idx.msk [tilespmem:v5+s10+$0x0], $0xffff  }
0x5b: {  	v17 =	vadd.s32 $0x2710, v3;
	v13 =	vld [tilespmem:s18+$0x0]  }
0x5c: {  	v18 =	vld [tilespmem:s18+$0x10]  }
0x5d: {  	[tilespmem:v10+s14+$0x0] =	vst.idx.add.f32.msk $0xffff, v9;
	v9 =	vadd.s32 $0x2710, v16  }
0x5e: {  	v10 =	vld.idx.msk [tilespmem:v14+s10+$0x0], $0xffff  }
0x5f: {  	[tilespmem:v1+s14+$0x0] =	vst.idx.add.f32.msk $0xffff, v2  }
0x60: {  	v3 =	vadd.s32 $0x2710, v13;
	[tilespmem:v17+s14+$0x0] =	vst.idx.add.f32.msk $0xffff, v5  }
0x61: {  	[tilespmem:v16+s14+$0x0] =	vst.idx.add.f32.msk $0xffff, v6;
	v1 =	vadd.s32 $0x2710, v18  }
0x62: {  	v5 =	vld.idx.msk [tilespmem:v4+s10+$0x0], $0xffff  }
0x63: {  	[tilespmem:v13+s14+$0x0] =	vst.idx.add.f32.msk $0xffff, v7  }
.Ltmp1:
0x64: {  	[tilespmem:v18+s14+$0x0] =	vst.idx.add.f32.msk $0xffff, v8;
	(pc) =	sbr.rel @p1 .LBB2_4-.Ltmp1, $4  }
0x65: {  	v4 =	vld.idx.msk [tilespmem:v11+s10+$0x0], $0xffff  }
0x66: {  	v2 =	vld.idx.msk [tilespmem:v12+s10+$0x0], $0xffff  }
0x67: {  	[tilespmem:v15+s14+$0x0] =	vst.idx.add.f32.msk $0xffff, v10  }
0x68: {  	s20 =	sadd.s32 $0x50, s20;
	[tilespmem:v9+s14+$0x0] =	vst.idx.add.f32.msk $0xffff, v5  }
0x69: {  	_ =	sdelay $0x2  }
0x6a: {  	s17 =	sadd.s32 $0x1, s17  }
0x6b: {  	[tilespmem:v3+s14+$0x0] =	vst.idx.add.f32.msk $0xffff, v4;
	p1 =	sne.s32 s17, s7  }
.Ltmp2:
0x6c: {  	[tilespmem:v1+s14+$0x0] =	vst.idx.add.f32.msk $0xffff, v2;
	(pc) =	sbr.rel @p1 .LBB2_1-.Ltmp2, $4  }
0x6d: {  	[hbm4b:s6+s15] =	stream.strided.scatter [tilespmem:s14], [sflag:$0x3], $0x4E80, s16, s15, $0x38;
	[tilespmem:$0xF0E8] =	vst v63  }
0x6e: {  	_ =	swait.ge [sflag:s11], $0x4E80  }
0x6f: {  	[sflag:s11] =	ssyncset.done $0x0  }
0x70: {  	[sflag:s11] =	ssyncadd.s32 $0xFFFFB180  }
0x71: {  	_ =	sfence.sel $0x180000  }
0x72: {  	[bflag:$0x0] =	sbarrier.arrive $0xFFFF  }
0x73: {  	_ =	strace $0x90000050  }
0x74: {  	s0 =	sadd.s32 @!p0 $0x100000, s1;
	[bflag:$0x2] =	sbarrier.arrive $0xFFFF  }
0x75: {  	[sflag:s0] =	ssyncadd.tile.s32 @!p0 $0x1;
	_ =	shalt  }
.Lfunc_end2:
_tile_overlayer_lowered:
.L_overlay_start_2:
0x76: {  	(tag) =	ssettag $0x2  }
0x77: {  	s0 =	rddreg [dreg:$0x0];
	s2 =	stileid.u32  }
0x78: {  	s1 =	rddreg [dreg:$0x1];
	p0 =	sne.s32 s2, $0x0  }
0x79: {  	s3 =	rddreg [dreg:$0x2];
	[bflag:$0x3] =	sbarrier.arrive $0xFFFF;
	s2 =	simm.s32 @!p0 $0x1C03  }
0x7a: {  	[timem:s3], [sflag:s2] =	dma.local @!p0 [hbm:s0], s1  }
0x7b: {  	s0 =	simm.s32 @!p0 $0x3  }
0x7c: {  	_ =	swait.ge @!p0 [sflag:s0], s1  }
0x7d: {  	s1 =	ssub.s32 @!p0 $0x0, s1;
	[sflag:s0] =	ssyncset.done @!p0 $0x0  }
0x7e: {  	[sflag:s0] =	ssyncadd.s32 @!p0 s1  }
0x7f: {  	[bflag:$0x3] =	sbarrier.arrive $0xFFFF  }
0x80: {  	_ =	shalt  }

</sc_bundles>
